<compile_context>
chip_gen: v7x
topology: tpu7x:2x2x1
jax: 0.10.2.dev20260603
libtpu: 0.0.44.dev20260713+nightly
codegen_flags: <defaults>
</compile_context>

<pallas_src>
import functools

import jax
import jax.numpy as jnp
from jax import lax
from jax.experimental import pallas as pl
from jax.experimental.pallas import tpu as pltpu
from jax.experimental.pallas import tpu_sc as plsc

N = 16384
B = 4096
HIDDEN = 768
C = 53
D = 128
R = 4096
NW = 32
BPW = B // NW
WIN = 144
NEG = -1e30


def _mm_prefix_body(reps_ref, w_ref, b_ref, out_ref, carry_ref):
    i = pl.program_id(0)

    @pl.when(i == 0)
    def _():
        carry_ref[...] = jnp.zeros_like(carry_ref)

    y53 = jax.lax.dot_general(reps_ref[...], w_ref[...],
                              (((1,), (1,)), ((), ())),
                              preferred_element_type=jnp.float32)
    y = jnp.concatenate(
        [y53 + b_ref[...], jnp.zeros((R, D - C), jnp.float32)], axis=1)
    row = lax.broadcasted_iota(jnp.int32, (R, D), 0)
    sh = 1
    while sh < R:
        y = y + jnp.where(row >= sh, pltpu.roll(y, sh, 0), 0.0)
        sh *= 2
    y = y + carry_ref[...]
    out_ref[...] = y
    carry_ref[...] = y[R - 1:R, :]


def _mm_prefix(reps, w, b_row):
    return pl.pallas_call(
        _mm_prefix_body,
        grid=(N // R,),
        in_specs=[
            pl.BlockSpec((R, HIDDEN), lambda i: (i, 0)),
            pl.BlockSpec((C, HIDDEN), lambda i: (0, 0)),
            pl.BlockSpec((1, C), lambda i: (0, 0)),
        ],
        out_specs=pl.BlockSpec((R, D), lambda i: (i, 0)),
        out_shape=jax.ShapeDtypeStruct((N, D), jnp.float32),
        scratch_shapes=[pltpu.VMEM((1, D), jnp.float32)],
        compiler_params=pltpu.CompilerParams(
            dimension_semantics=("arbitrary",)),
    )(reps, w, b_row)


def _sc_bag_softmax_body(p_hbm, scope_hbm, out_hbm, idx_v, rows_v, out_v,
                         inv_v, sem):
    wid = lax.axis_index("s") * 2 + lax.axis_index("c")
    base = wid * BPW
    pltpu.sync_copy(scope_hbm.at[pl.ds(base, WIN)], idx_v)
    cp1 = pltpu.async_copy(p_hbm.at[idx_v.at[pl.ds(0, 128)]],
                           rows_v.at[pl.ds(0, 128)], sem)
    cp2 = pltpu.async_copy(p_hbm.at[idx_v.at[pl.ds(128, WIN - 128)]],
                           rows_v.at[pl.ds(128, WIN - 128)], sem)
    lane = lax.iota(jnp.int32, 16)
    for k in range(BPW // 16):
        lo = idx_v[pl.ds(16 * k, 16)]
        hi = idx_v[pl.ds(16 * k + 1, 16)]
        inv_v[pl.ds(16 * k, 16)] = 1.0 / (hi - lo).astype(jnp.float32)

    @pl.when(wid == 0)
    def _():
        lo = idx_v[pl.ds(0, 16)]
        hi = idx_v[pl.ds(1, 16)]
        cnt = (hi - lo).astype(jnp.float32) + jnp.where(lane == 0, 1.0, 0.0)
        inv_v[pl.ds(0, 16)] = 1.0 / cnt

    cp1.wait()
    cp2.wait()

    @pl.when(wid == 0)
    def _():
        for k in range(4):
            rows_v[0, pl.ds(16 * k, 16)] = jnp.zeros((16,), jnp.float32)

    mask3 = lane < (C - 48)

    @plsc.parallel_loop(0, BPW, unroll=4)
    def body(i):
        inv = plsc.load_gather(inv_v, [jnp.full((16,), i, jnp.int32)])
        d = []
        for k in range(4):
            a = rows_v[i + 1, pl.ds(16 * k, 16)]
            s = rows_v[i, pl.ds(16 * k, 16)]
            d.append((a - s) * inv)
        d[3] = jnp.where(mask3, d[3], NEG)
        m = jnp.max(jnp.maximum(jnp.maximum(d[0], d[1]),
                                jnp.maximum(d[2], d[3])))
        e = [jnp.exp(x - m) for x in d]
        s_tot = jnp.sum((e[0] + e[1]) + (e[2] + e[3]))
        r = 1.0 / jnp.full((16,), s_tot, jnp.float32)
        for k in range(4):
            out_v[i, pl.ds(16 * k, 16)] = e[k] * r

    pltpu.sync_copy(out_v, out_hbm.at[pl.ds(base, BPW)])


@functools.lru_cache(maxsize=1)
def _sc_bag_softmax():
    mesh = plsc.VectorSubcoreMesh(core_axis_name="c", subcore_axis_name="s")
    return pl.kernel(
        _sc_bag_softmax_body,
        mesh=mesh,
        out_type=jax.ShapeDtypeStruct((B, D), jnp.float32),
        scratch_types=[
            pltpu.VMEM((WIN,), jnp.int32),
            pltpu.VMEM((WIN, D), jnp.float32),
            pltpu.VMEM((BPW, D), jnp.float32),
            pltpu.VMEM((BPW,), jnp.float32),
            pltpu.SemaphoreType.DMA,
        ],
        compiler_params=pltpu.CompilerParams(needs_layout_passes=False),
    )


def kernel(reps, scope, label, W, b):
    del label
    prefix = _mm_prefix(reps, W, b.reshape(1, C))
    scope_pad = jnp.maximum(
        jnp.pad(scope, (0, (NW - 1) * BPW + WIN - (B + 1)),
                constant_values=N) - 1, 0)
    probs = _sc_bag_softmax()(prefix, scope_pad)
    return probs[:, :C]

# --- scband reference (transcript-rebuilt; emitter-appended) ---
"""Pipeline reference for scband-avg-39436389712022 (READ-ONLY COPY).

The authoritative reference and input builder live on the scoring server;
editing this copy changes nothing except your own understanding.
"""

import jax, jax.numpy as jnp
import numpy as np

FILTER_NUM = 256
PIECE = 3
HIDDEN = FILTER_NUM * PIECE
CLASS_NUM = 53
N = 16384  # total sentences
B = 4096   # bags


def setup_inputs(seed: int = 0) -> dict:
    key = jax.random.key(seed)
    k1, k2, k3, k4 = jax.random.split(key, 4)
    reps = jax.random.normal(k1, (N, HIDDEN), dtype=jnp.float32)
    # scope: strictly-increasing cu_seqlens with scope[0]=0, scope[-1]=N (every bag non-empty)
    interior = jnp.sort(jax.random.randint(k2, (B - 1,), 0, N - (B - 1), dtype=jnp.int32)) + jnp.arange(1, B, dtype=jnp.int32)
    scope = jnp.concatenate([jnp.zeros((1,), jnp.int32), interior, jnp.full((1,), N, jnp.int32)])
    label = jax.random.randint(k3, (B,), 0, CLASS_NUM, dtype=jnp.int32)
    # dense layer params (nn.Linear(HIDDEN, CLASS_NUM))
    W = jax.random.normal(k4, (CLASS_NUM, HIDDEN), dtype=jnp.float32) * 0.02
    b = jnp.zeros((CLASS_NUM,), dtype=jnp.float32)
    return {"reps": reps, "scope": scope, "label": label, "W": W, "b": b}


def reference(reps, scope, label, W, b):
    n = reps.shape[0]
    n_bags = scope.shape[0] - 1
    # map each sentence row to its bag id via searchsorted on cu_seqlens
    seg_ids = jnp.searchsorted(scope, jnp.arange(n, dtype=scope.dtype), side='right') - 1
    seg_ids = jnp.clip(seg_ids, 0, n_bags - 1)
    sums = jax.ops.segment_sum(reps, seg_ids, num_segments=n_bags)
    counts = (scope[1:] - scope[:-1]).astype(reps.dtype)
    bag_reps = sums / counts[:, None]
    # dropout is identity in eval mode
    logits = bag_reps @ W.T + b
    probs = jax.nn.softmax(logits, axis=-1)
    return probs

if __name__ == "__main__":
    import jax
    _d = setup_inputs()
    print(jax.jit(kernel)(*tuple(_d.values())))

</pallas_src>

<mosaic_0001>
#map = affine_map<(d0, d1) -> (0, 0)>
#map1 = affine_map<(d0, d1) -> (0)>
module attributes {stable_mosaic.version = 14 : i64} {
  func.func @_sc_bag_softmax_body(%arg0: i32, %arg1: i32, %arg2: memref<16384x128xf32, #tpu.memory_space<hbm>>, %arg3: memref<4112xi32, #tpu.memory_space<hbm>>, %arg4: memref<4096x128xf32, #tpu.memory_space<hbm>>, %arg5: memref<144xi32, #tpu.memory_space<vmem>>, %arg6: memref<144x128xf32, #tpu.memory_space<vmem>>, %arg7: memref<128x128xf32, #tpu.memory_space<vmem>>, %arg8: memref<128xf32, #tpu.memory_space<vmem>>, %arg9: memref<!tpu.dma_semaphore, #tpu.memory_space<semaphore_mem>>) attributes {dimension_semantics = [#tpu.dimension_semantics<core_parallel>, #tpu.dimension_semantics<subcore_parallel>], iteration_bounds = array<i64: 2, 16>, scalar_prefetch = 0 : i64, scratch_operands = 5 : i64, tpu.core_type = #tpu.core_type<sc_vector_subcore>, window_params = [{transform_indices = #map}, {transform_indices = #map1}, {transform_indices = #map}]} {
    %mul3A = arith.constant 2 : i32
    %mul3A_0 = arith.muli %arg1, %mul3A : i32
    %add3A = arith.addi %mul3A_0, %arg0 : i32
    %mul3A_1 = arith.constant 128 : i32
    %mul3A_2 = arith.muli %add3A, %mul3A_1 : i32
    "tpu.region"() ({
      %run_scoped3A = tpu.sem_alloc : memref<!tpu.dma_semaphore, #tpu.memory_space<semaphore_mem>>
      %dma_start3A_128 = tpu.memref_slice %arg3[%mul3A_2] : memref<4112xi32, #tpu.memory_space<hbm>> -> memref<144xi32, #tpu.memory_space<hbm>>
      %dma_start3A_129 = tpu.memref_slice %arg3[%mul3A_2] : memref<4112xi32, #tpu.memory_space<hbm>> -> memref<144xi32, #tpu.memory_space<hbm>>
      tpu.enqueue_dma source(%dma_start3A_129 : memref<144xi32, #tpu.memory_space<hbm>>) target(%arg5 : memref<144xi32, #tpu.memory_space<vmem>>) target_semaphore(%run_scoped3A : memref<!tpu.dma_semaphore, #tpu.memory_space<semaphore_mem>>)
      %dma_wait3A_130 = tpu.memref_slice %arg3[%mul3A_2] : memref<4112xi32, #tpu.memory_space<hbm>> -> memref<144xi32, #tpu.memory_space<hbm>>
      %dma_wait3A_131 = tpu.memref_slice %arg3[%mul3A_2] : memref<4112xi32, #tpu.memory_space<hbm>> -> memref<144xi32, #tpu.memory_space<hbm>>
      tpu.wait_dma2 semaphore(%run_scoped3A : memref<!tpu.dma_semaphore, #tpu.memory_space<semaphore_mem>>) src(%dma_wait3A_131 : memref<144xi32, #tpu.memory_space<hbm>>) dst(%arg5 : memref<144xi32, #tpu.memory_space<vmem>>)
      tpu.yield
    }) : () -> ()
    %dma_start3A = arith.constant 0 : i32
    %dma_start3A_3 = arith.constant 0 : i32
    %dma_start3A_4 = tpu.memref_slice %arg6[%dma_start3A, %dma_start3A_3] : memref<144x128xf32, #tpu.memory_space<vmem>> -> memref<128x128xf32, #tpu.memory_space<vmem>>
    %dma_start3A_5 = arith.constant 0 : i32
    %dma_start3A_6 = tpu.memref_slice %arg5[%dma_start3A_5] : memref<144xi32, #tpu.memory_space<vmem>> -> memref<128xi32, #tpu.memory_space<vmem>>
    %dma_start3A_7 = arith.constant 0 : i32
    %dma_start3A_8 = arith.constant 0 : i32
    %dma_start3A_9 = tpu.memref_slice %arg2[%dma_start3A_7, %dma_start3A_8] : memref<16384x128xf32, #tpu.memory_space<hbm>> -> memref<16384x128xf32, #tpu.memory_space<hbm>>
    tpu.enqueue_indirect_dma source(%dma_start3A_9 : memref<16384x128xf32, #tpu.memory_space<hbm>>) target(%dma_start3A_4 : memref<128x128xf32, #tpu.memory_space<vmem>>) offsets(%dma_start3A_6 : memref<128xi32, #tpu.memory_space<vmem>>) semaphore(%arg9 : memref<!tpu.dma_semaphore, #tpu.memory_space<semaphore_mem>>)
    %dma_start3A_10 = arith.constant 128 : i32
    %dma_start3A_11 = arith.constant 0 : i32
    %dma_start3A_12 = tpu.memref_slice %arg6[%dma_start3A_10, %dma_start3A_11] : memref<144x128xf32, #tpu.memory_space<vmem>> -> memref<16x128xf32, #tpu.memory_space<vmem>>
    %dma_start3A_13 = arith.constant 128 : i32
    %dma_start3A_14 = tpu.memref_slice %arg5[%dma_start3A_13] : memref<144xi32, #tpu.memory_space<vmem>> -> memref<16xi32, #tpu.memory_space<vmem>>
    %dma_start3A_15 = arith.constant 0 : i32
    %dma_start3A_16 = arith.constant 0 : i32
    %dma_start3A_17 = tpu.memref_slice %arg2[%dma_start3A_15, %dma_start3A_16] : memref<16384x128xf32, #tpu.memory_space<hbm>> -> memref<16384x128xf32, #tpu.memory_space<hbm>>
    tpu.enqueue_indirect_dma source(%dma_start3A_17 : memref<16384x128xf32, #tpu.memory_space<hbm>>) target(%dma_start3A_12 : memref<16x128xf32, #tpu.memory_space<vmem>>) offsets(%dma_start3A_14 : memref<16xi32, #tpu.memory_space<vmem>>) semaphore(%arg9 : memref<!tpu.dma_semaphore, #tpu.memory_space<semaphore_mem>>)
    %iota3A = tpu.iota {dimensions = array<i32: 0>} : vector<16xi32>
    %get3A = arith.constant 0 : index
    %get3A_18 = tpu.vector_load %arg5[%get3A] {strides = array<i32>} : memref<144xi32, #tpu.memory_space<vmem>>, vector<16xi32>,
    %get3A_19 = arith.constant 1 : index
    %get3A_20 = tpu.vector_load %arg5[%get3A_19] {strides = array<i32>} : memref<144xi32, #tpu.memory_space<vmem>>, vector<16xi32>,
    %sub3A = arith.subi %get3A_20, %get3A_18 : vector<16xi32>
    %convert_element_type3A = arith.sitofp %sub3A : vector<16xi32> to vector<16xf32>
    %div3A = arith.constant 1.000000e+00 : f32
    %div3A_21 = vector.broadcast %div3A : f32 to vector<16xf32>
    %div3A_22 = arith.divf %div3A_21, %convert_element_type3A : vector<16xf32>
    %swap3A = arith.constant 0 : index
    %swap3A_23 = tpu.vector_load %arg8[%swap3A] {strides = array<i32>} : memref<128xf32, #tpu.memory_space<vmem>>, vector<16xf32>,
    tpu.vector_store %arg8[%swap3A], %div3A_22 {strides = array<i32>} : memref<128xf32, #tpu.memory_space<vmem>>, vector<16xf32>,
    %get3A_24 = arith.constant 16 : index
    %get3A_25 = tpu.vector_load %arg5[%get3A_24] {strides = array<i32>} : memref<144xi32, #tpu.memory_space<vmem>>, vector<16xi32>,
    %get3A_26 = arith.constant 17 : index
    %get3A_27 = tpu.vector_load %arg5[%get3A_26] {strides = array<i32>} : memref<144xi32, #tpu.memory_space<vmem>>, vector<16xi32>,
    %sub3A_28 = arith.subi %get3A_27, %get3A_25 : vector<16xi32>
    %convert_element_type3A_29 = arith.sitofp %sub3A_28 : vector<16xi32> to vector<16xf32>
    %div3A_30 = arith.constant 1.000000e+00 : f32
    %div3A_31 = vector.broadcast %div3A_30 : f32 to vector<16xf32>
    %div3A_32 = arith.divf %div3A_31, %convert_element_type3A_29 : vector<16xf32>
    %swap3A_33 = arith.constant 16 : index
    %swap3A_34 = tpu.vector_load %arg8[%swap3A_33] {strides = array<i32>} : memref<128xf32, #tpu.memory_space<vmem>>, vector<16xf32>,
    tpu.vector_store %arg8[%swap3A_33], %div3A_32 {strides = array<i32>} : memref<128xf32, #tpu.memory_space<vmem>>, vector<16xf32>,
    %get3A_35 = arith.constant 32 : index
    %get3A_36 = tpu.vector_load %arg5[%get3A_35] {strides = array<i32>} : memref<144xi32, #tpu.memory_space<vmem>>, vector<16xi32>,
    %get3A_37 = arith.constant 33 : index
    %get3A_38 = tpu.vector_load %arg5[%get3A_37] {strides = array<i32>} : memref<144xi32, #tpu.memory_space<vmem>>, vector<16xi32>,
    %sub3A_39 = arith.subi %get3A_38, %get3A_36 : vector<16xi32>
    %convert_element_type3A_40 = arith.sitofp %sub3A_39 : vector<16xi32> to vector<16xf32>
    %div3A_41 = arith.constant 1.000000e+00 : f32
    %div3A_42 = vector.broadcast %div3A_41 : f32 to vector<16xf32>
    %div3A_43 = arith.divf %div3A_42, %convert_element_type3A_40 : vector<16xf32>
    %swap3A_44 = arith.constant 32 : index
    %swap3A_45 = tpu.vector_load %arg8[%swap3A_44] {strides = array<i32>} : memref<128xf32, #tpu.memory_space<vmem>>, vector<16xf32>,
    tpu.vector_store %arg8[%swap3A_44], %div3A_43 {strides = array<i32>} : memref<128xf32, #tpu.memory_space<vmem>>, vector<16xf32>,
    %get3A_46 = arith.constant 48 : index
    %get3A_47 = tpu.vector_load %arg5[%get3A_46] {strides = array<i32>} : memref<144xi32, #tpu.memory_space<vmem>>, vector<16xi32>,
    %get3A_48 = arith.constant 49 : index
    %get3A_49 = tpu.vector_load %arg5[%get3A_48] {strides = array<i32>} : memref<144xi32, #tpu.memory_space<vmem>>, vector<16xi32>,
    %sub3A_50 = arith.subi %get3A_49, %get3A_47 : vector<16xi32>
    %convert_element_type3A_51 = arith.sitofp %sub3A_50 : vector<16xi32> to vector<16xf32>
    %div3A_52 = arith.constant 1.000000e+00 : f32
    %div3A_53 = vector.broadcast %div3A_52 : f32 to vector<16xf32>
    %div3A_54 = arith.divf %div3A_53, %convert_element_type3A_51 : vector<16xf32>
    %swap3A_55 = arith.constant 48 : index
    %swap3A_56 = tpu.vector_load %arg8[%swap3A_55] {strides = array<i32>} : memref<128xf32, #tpu.memory_space<vmem>>, vector<16xf32>,
    tpu.vector_store %arg8[%swap3A_55], %div3A_54 {strides = array<i32>} : memref<128xf32, #tpu.memory_space<vmem>>, vector<16xf32>,
    %get3A_57 = arith.constant 64 : index
    %get3A_58 = tpu.vector_load %arg5[%get3A_57] {strides = array<i32>} : memref<144xi32, #tpu.memory_space<vmem>>, vector<16xi32>,
    %get3A_59 = arith.constant 65 : index
    %get3A_60 = tpu.vector_load %arg5[%get3A_59] {strides = array<i32>} : memref<144xi32, #tpu.memory_space<vmem>>, vector<16xi32>,
    %sub3A_61 = arith.subi %get3A_60, %get3A_58 : vector<16xi32>
    %convert_element_type3A_62 = arith.sitofp %sub3A_61 : vector<16xi32> to vector<16xf32>
    %div3A_63 = arith.constant 1.000000e+00 : f32
    %div3A_64 = vector.broadcast %div3A_63 : f32 to vector<16xf32>
    %div3A_65 = arith.divf %div3A_64, %convert_element_type3A_62 : vector<16xf32>
    %swap3A_66 = arith.constant 64 : index
    %swap3A_67 = tpu.vector_load %arg8[%swap3A_66] {strides = array<i32>} : memref<128xf32, #tpu.memory_space<vmem>>, vector<16xf32>,
    tpu.vector_store %arg8[%swap3A_66], %div3A_65 {strides = array<i32>} : memref<128xf32, #tpu.memory_space<vmem>>, vector<16xf32>,
    %get3A_68 = arith.constant 80 : index
    %get3A_69 = tpu.vector_load %arg5[%get3A_68] {strides = array<i32>} : memref<144xi32, #tpu.memory_space<vmem>>, vector<16xi32>,
    %get3A_70 = arith.constant 81 : index
    %get3A_71 = tpu.vector_load %arg5[%get3A_70] {strides = array<i32>} : memref<144xi32, #tpu.memory_space<vmem>>, vector<16xi32>,
    %sub3A_72 = arith.subi %get3A_71, %get3A_69 : vector<16xi32>
    %convert_element_type3A_73 = arith.sitofp %sub3A_72 : vector<16xi32> to vector<16xf32>
    %div3A_74 = arith.constant 1.000000e+00 : f32
    %div3A_75 = vector.broadcast %div3A_74 : f32 to vector<16xf32>
    %div3A_76 = arith.divf %div3A_75, %convert_element_type3A_73 : vector<16xf32>
    %swap3A_77 = arith.constant 80 : index
    %swap3A_78 = tpu.vector_load %arg8[%swap3A_77] {strides = array<i32>} : memref<128xf32, #tpu.memory_space<vmem>>, vector<16xf32>,
    tpu.vector_store %arg8[%swap3A_77], %div3A_76 {strides = array<i32>} : memref<128xf32, #tpu.memory_space<vmem>>, vector<16xf32>,
    %get3A_79 = arith.constant 96 : index
    %get3A_80 = tpu.vector_load %arg5[%get3A_79] {strides = array<i32>} : memref<144xi32, #tpu.memory_space<vmem>>, vector<16xi32>,
    %get3A_81 = arith.constant 97 : index
    %get3A_82 = tpu.vector_load %arg5[%get3A_81] {strides = array<i32>} : memref<144xi32, #tpu.memory_space<vmem>>, vector<16xi32>,
    %sub3A_83 = arith.subi %get3A_82, %get3A_80 : vector<16xi32>
    %convert_element_type3A_84 = arith.sitofp %sub3A_83 : vector<16xi32> to vector<16xf32>
    %div3A_85 = arith.constant 1.000000e+00 : f32
    %div3A_86 = vector.broadcast %div3A_85 : f32 to vector<16xf32>
    %div3A_87 = arith.divf %div3A_86, %convert_element_type3A_84 : vector<16xf32>
    %swap3A_88 = arith.constant 96 : index
    %swap3A_89 = tpu.vector_load %arg8[%swap3A_88] {strides = array<i32>} : memref<128xf32, #tpu.memory_space<vmem>>, vector<16xf32>,
    tpu.vector_store %arg8[%swap3A_88], %div3A_87 {strides = array<i32>} : memref<128xf32, #tpu.memory_space<vmem>>, vector<16xf32>,
    %get3A_90 = arith.constant 112 : index
    %get3A_91 = tpu.vector_load %arg5[%get3A_90] {strides = array<i32>} : memref<144xi32, #tpu.memory_space<vmem>>, vector<16xi32>,
    %get3A_92 = arith.constant 113 : index
    %get3A_93 = tpu.vector_load %arg5[%get3A_92] {strides = array<i32>} : memref<144xi32, #tpu.memory_space<vmem>>, vector<16xi32>,
    %sub3A_94 = arith.subi %get3A_93, %get3A_91 : vector<16xi32>
    %convert_element_type3A_95 = arith.sitofp %sub3A_94 : vector<16xi32> to vector<16xf32>
    %div3A_96 = arith.constant 1.000000e+00 : f32
    %div3A_97 = vector.broadcast %div3A_96 : f32 to vector<16xf32>
    %div3A_98 = arith.divf %div3A_97, %convert_element_type3A_95 : vector<16xf32>
    %swap3A_99 = arith.constant 112 : index
    %swap3A_100 = tpu.vector_load %arg8[%swap3A_99] {strides = array<i32>} : memref<128xf32, #tpu.memory_space<vmem>>, vector<16xf32>,
    tpu.vector_store %arg8[%swap3A_99], %div3A_98 {strides = array<i32>} : memref<128xf32, #tpu.memory_space<vmem>>, vector<16xf32>,
    %eq3A = arith.constant 0 : i32
    %eq3A_101 = arith.cmpi eq, %add3A, %eq3A : i32
    %convert_element_type3A_102 = arith.extui %eq3A_101 : i1 to i32
    %cond3A = arith.constant 0 : i32
    %cond3A_103 = arith.cmpi ne, %convert_element_type3A_102, %cond3A : i32
    scf.if %cond3A_103 {
      %get3A_128 = arith.constant 0 : index
      %get3A_129 = tpu.vector_load %arg5[%get3A_128] {strides = array<i32>} : memref<144xi32, #tpu.memory_space<vmem>>, vector<16xi32>,
      %get3A_130 = arith.constant 1 : index
      %get3A_131 = tpu.vector_load %arg5[%get3A_130] {strides = array<i32>} : memref<144xi32, #tpu.memory_space<vmem>>, vector<16xi32>,
      %sub3A_132 = arith.subi %get3A_131, %get3A_129 : vector<16xi32>
      %convert_element_type3A_133 = arith.sitofp %sub3A_132 : vector<16xi32> to vector<16xf32>
      %eq3A_134 = arith.constant 0 : i32
      %eq3A_135 = vector.broadcast %eq3A_134 : i32 to vector<16xi32>
      %eq3A_136 = arith.cmpi eq, %iota3A, %eq3A_135 : vector<16xi32>
      %jit3A = arith.constant 1.000000e+00 : f32
      %jit3A_137 = arith.constant 0.000000e+00 : f32
      %broadcast_in_dim3A = vector.broadcast %jit3A : f32 to vector<16xf32>
      %broadcast_in_dim3A_138 = vector.broadcast %jit3A_137 : f32 to vector<16xf32>
      %select_n3A = arith.select %eq3A_136, %broadcast_in_dim3A, %broadcast_in_dim3A_138 : vector<16xi1>, vector<16xf32>
      %add3A_139 = arith.addf %convert_element_type3A_133, %select_n3A : vector<16xf32>
      %div3A_140 = arith.constant 1.000000e+00 : f32
      %div3A_141 = vector.broadcast %div3A_140 : f32 to vector<16xf32>
      %div3A_142 = arith.divf %div3A_141, %add3A_139 : vector<16xf32>
      %swap3A_143 = arith.constant 0 : index
      %swap3A_144 = tpu.vector_load %arg8[%swap3A_143] {strides = array<i32>} : memref<128xf32, #tpu.memory_space<vmem>>, vector<16xf32>,
      tpu.vector_store %arg8[%swap3A_143], %div3A_142 {strides = array<i32>} : memref<128xf32, #tpu.memory_space<vmem>>, vector<16xf32>,
    } else {
    }
    %dma_wait3A = arith.constant 0 : i32
    %dma_wait3A_104 = arith.constant 0 : i32
    %dma_wait3A_105 = tpu.memref_slice %arg6[%dma_wait3A, %dma_wait3A_104] : memref<144x128xf32, #tpu.memory_space<vmem>> -> memref<128x128xf32, #tpu.memory_space<vmem>>
    %dma_wait3A_106 = arith.constant 0 : i32
    %dma_wait3A_107 = tpu.memref_slice %arg5[%dma_wait3A_106] : memref<144xi32, #tpu.memory_space<vmem>> -> memref<128xi32, #tpu.memory_space<vmem>>
    %dma_wait3A_108 = arith.constant 0 : i32
    %dma_wait3A_109 = arith.constant 0 : i32
    %dma_wait3A_110 = tpu.memref_slice %arg2[%dma_wait3A_108, %dma_wait3A_109] : memref<16384x128xf32, #tpu.memory_space<hbm>> -> memref<16384x128xf32, #tpu.memory_space<hbm>>
    tpu.wait_indirect_dma semaphore(%arg9 : memref<!tpu.dma_semaphore, #tpu.memory_space<semaphore_mem>>) src(%dma_wait3A_110 : memref<16384x128xf32, #tpu.memory_space<hbm>>) dst(%dma_wait3A_105 : memref<128x128xf32, #tpu.memory_space<vmem>>)
    %dma_wait3A_111 = arith.constant 128 : i32
    %dma_wait3A_112 = arith.constant 0 : i32
    %dma_wait3A_113 = tpu.memref_slice %arg6[%dma_wait3A_111, %dma_wait3A_112] : memref<144x128xf32, #tpu.memory_space<vmem>> -> memref<16x128xf32, #tpu.memory_space<vmem>>
    %dma_wait3A_114 = arith.constant 128 : i32
    %dma_wait3A_115 = tpu.memref_slice %arg5[%dma_wait3A_114] : memref<144xi32, #tpu.memory_space<vmem>> -> memref<16xi32, #tpu.memory_space<vmem>>
    %dma_wait3A_116 = arith.constant 0 : i32
    %dma_wait3A_117 = arith.constant 0 : i32
    %dma_wait3A_118 = tpu.memref_slice %arg2[%dma_wait3A_116, %dma_wait3A_117] : memref<16384x128xf32, #tpu.memory_space<hbm>> -> memref<16384x128xf32, #tpu.memory_space<hbm>>
    tpu.wait_indirect_dma semaphore(%arg9 : memref<!tpu.dma_semaphore, #tpu.memory_space<semaphore_mem>>) src(%dma_wait3A_118 : memref<16384x128xf32, #tpu.memory_space<hbm>>) dst(%dma_wait3A_113 : memref<16x128xf32, #tpu.memory_space<vmem>>)
    %eq3A_119 = arith.constant 0 : i32
    %eq3A_120 = arith.cmpi eq, %add3A, %eq3A_119 : i32
    %convert_element_type3A_121 = arith.extui %eq3A_120 : i1 to i32
    %cond3A_122 = arith.constant 0 : i32
    %cond3A_123 = arith.cmpi ne, %convert_element_type3A_121, %cond3A_122 : i32
    scf.if %cond3A_123 {
      %broadcast_in_dim3A = arith.constant 0.000000e+00 : f32
      %broadcast_in_dim3A_128 = vector.broadcast %broadcast_in_dim3A : f32 to vector<16xf32>
      %swap3A_129 = arith.constant 0 : i32
      %swap3A_130 = arith.index_cast %swap3A_129 : i32 to index
      %swap3A_131 = arith.constant 0 : index
      %swap3A_132 = tpu.vector_load %arg6[%swap3A_130, %swap3A_131] {strides = array<i32>} : memref<144x128xf32, #tpu.memory_space<vmem>>, vector<16xf32>,
      tpu.vector_store %arg6[%swap3A_130, %swap3A_131], %broadcast_in_dim3A_128 {strides = array<i32>} : memref<144x128xf32, #tpu.memory_space<vmem>>, vector<16xf32>,
      %broadcast_in_dim3A_133 = arith.constant 0.000000e+00 : f32
      %broadcast_in_dim3A_134 = vector.broadcast %broadcast_in_dim3A_133 : f32 to vector<16xf32>
      %swap3A_135 = arith.constant 0 : i32
      %swap3A_136 = arith.index_cast %swap3A_135 : i32 to index
      %swap3A_137 = arith.constant 16 : index
      %swap3A_138 = tpu.vector_load %arg6[%swap3A_136, %swap3A_137] {strides = array<i32>} : memref<144x128xf32, #tpu.memory_space<vmem>>, vector<16xf32>,
      tpu.vector_store %arg6[%swap3A_136, %swap3A_137], %broadcast_in_dim3A_134 {strides = array<i32>} : memref<144x128xf32, #tpu.memory_space<vmem>>, vector<16xf32>,
      %broadcast_in_dim3A_139 = arith.constant 0.000000e+00 : f32
      %broadcast_in_dim3A_140 = vector.broadcast %broadcast_in_dim3A_139 : f32 to vector<16xf32>
      %swap3A_141 = arith.constant 0 : i32
      %swap3A_142 = arith.index_cast %swap3A_141 : i32 to index
      %swap3A_143 = arith.constant 32 : index
      %swap3A_144 = tpu.vector_load %arg6[%swap3A_142, %swap3A_143] {strides = array<i32>} : memref<144x128xf32, #tpu.memory_space<vmem>>, vector<16xf32>,
      tpu.vector_store %arg6[%swap3A_142, %swap3A_143], %broadcast_in_dim3A_140 {strides = array<i32>} : memref<144x128xf32, #tpu.memory_space<vmem>>, vector<16xf32>,
      %broadcast_in_dim3A_145 = arith.constant 0.000000e+00 : f32
      %broadcast_in_dim3A_146 = vector.broadcast %broadcast_in_dim3A_145 : f32 to vector<16xf32>
      %swap3A_147 = arith.constant 0 : i32
      %swap3A_148 = arith.index_cast %swap3A_147 : i32 to index
      %swap3A_149 = arith.constant 48 : index
      %swap3A_150 = tpu.vector_load %arg6[%swap3A_148, %swap3A_149] {strides = array<i32>} : memref<144x128xf32, #tpu.memory_space<vmem>>, vector<16xf32>,
      tpu.vector_store %arg6[%swap3A_148, %swap3A_149], %broadcast_in_dim3A_146 {strides = array<i32>} : memref<144x128xf32, #tpu.memory_space<vmem>>, vector<16xf32>,
    } else {
    }
    %lt3A = arith.constant 5 : i32
    %lt3A_124 = vector.broadcast %lt3A : i32 to vector<16xi32>
    %lt3A_125 = arith.cmpi slt, %iota3A, %lt3A_124 : vector<16xi32>
    %parallel_loop3A = arith.constant 0 : i32
    %parallel_loop3A_126 = arith.constant 128 : i32
    %parallel_loop3A_127 = arith.constant 1 : i32
    scf.for %parallel_loop3A_128 = %parallel_loop3A to %parallel_loop3A_126 step %parallel_loop3A_127  : i32 {
      %parallel_loop3A_129 = vector.broadcast %parallel_loop3A_128 : i32 to vector<16xi32>
      %parallel_loop3A_130 = tpu.vector_load_idx %arg8[%parallel_loop3A_129] : memref<128xf32, #tpu.memory_space<vmem>>[vector<16xi32>], vector<16xf32>,
      %parallel_loop3A_131 = arith.constant 1 : i32
      %parallel_loop3A_132 = arith.addi %parallel_loop3A_128, %parallel_loop3A_131 : i32
      %parallel_loop3A_133 = arith.index_cast %parallel_loop3A_132 : i32 to index
      %parallel_loop3A_134 = arith.constant 0 : index
      %parallel_loop3A_135 = tpu.vector_load %arg6[%parallel_loop3A_133, %parallel_loop3A_134] {strides = array<i32>} : memref<144x128xf32, #tpu.memory_space<vmem>>, vector<16xf32>,
      %parallel_loop3A_136 = arith.index_cast %parallel_loop3A_128 : i32 to index
      %parallel_loop3A_137 = arith.constant 0 : index
      %parallel_loop3A_138 = tpu.vector_load %arg6[%parallel_loop3A_136, %parallel_loop3A_137] {strides = array<i32>} : memref<144x128xf32, #tpu.memory_space<vmem>>, vector<16xf32>,
      %parallel_loop3A_139 = arith.subf %parallel_loop3A_135, %parallel_loop3A_138 : vector<16xf32>
      %parallel_loop3A_140 = arith.mulf %parallel_loop3A_139, %parallel_loop3A_130 : vector<16xf32>
      %parallel_loop3A_141 = arith.constant 1 : i32
      %parallel_loop3A_142 = arith.addi %parallel_loop3A_128, %parallel_loop3A_141 : i32
      %parallel_loop3A_143 = arith.index_cast %parallel_loop3A_142 : i32 to index
      %parallel_loop3A_144 = arith.constant 16 : index
      %parallel_loop3A_145 = tpu.vector_load %arg6[%parallel_loop3A_143, %parallel_loop3A_144] {strides = array<i32>} : memref<144x128xf32, #tpu.memory_space<vmem>>, vector<16xf32>,
      %parallel_loop3A_146 = arith.index_cast %parallel_loop3A_128 : i32 to index
      %parallel_loop3A_147 = arith.constant 16 : index
      %parallel_loop3A_148 = tpu.vector_load %arg6[%parallel_loop3A_146, %parallel_loop3A_147] {strides = array<i32>} : memref<144x128xf32, #tpu.memory_space<vmem>>, vector<16xf32>,
      %parallel_loop3A_149 = arith.subf %parallel_loop3A_145, %parallel_loop3A_148 : vector<16xf32>
      %parallel_loop3A_150 = arith.mulf %parallel_loop3A_149, %parallel_loop3A_130 : vector<16xf32>
      %parallel_loop3A_151 = arith.constant 1 : i32
      %parallel_loop3A_152 = arith.addi %parallel_loop3A_128, %parallel_loop3A_151 : i32
      %parallel_loop3A_153 = arith.index_cast %parallel_loop3A_152 : i32 to index
      %parallel_loop3A_154 = arith.constant 32 : index
      %parallel_loop3A_155 = tpu.vector_load %arg6[%parallel_loop3A_153, %parallel_loop3A_154] {strides = array<i32>} : memref<144x128xf32, #tpu.memory_space<vmem>>, vector<16xf32>,
      %parallel_loop3A_156 = arith.index_cast %parallel_loop3A_128 : i32 to index
      %parallel_loop3A_157 = arith.constant 32 : index
      %parallel_loop3A_158 = tpu.vector_load %arg6[%parallel_loop3A_156, %parallel_loop3A_157] {strides = array<i32>} : memref<144x128xf32, #tpu.memory_space<vmem>>, vector<16xf32>,
      %parallel_loop3A_159 = arith.subf %parallel_loop3A_155, %parallel_loop3A_158 : vector<16xf32>
      %parallel_loop3A_160 = arith.mulf %parallel_loop3A_159, %parallel_loop3A_130 : vector<16xf32>
      %parallel_loop3A_161 = arith.constant 1 : i32
      %parallel_loop3A_162 = arith.addi %parallel_loop3A_128, %parallel_loop3A_161 : i32
      %parallel_loop3A_163 = arith.index_cast %parallel_loop3A_162 : i32 to index
      %parallel_loop3A_164 = arith.constant 48 : index
      %parallel_loop3A_165 = tpu.vector_load %arg6[%parallel_loop3A_163, %parallel_loop3A_164] {strides = array<i32>} : memref<144x128xf32, #tpu.memory_space<vmem>>, vector<16xf32>,
      %parallel_loop3A_166 = arith.index_cast %parallel_loop3A_128 : i32 to index
      %parallel_loop3A_167 = arith.constant 48 : index
      %parallel_loop3A_168 = tpu.vector_load %arg6[%parallel_loop3A_166, %parallel_loop3A_167] {strides = array<i32>} : memref<144x128xf32, #tpu.memory_space<vmem>>, vector<16xf32>,
      %parallel_loop3A_169 = arith.subf %parallel_loop3A_165, %parallel_loop3A_168 : vector<16xf32>
      %parallel_loop3A_170 = arith.mulf %parallel_loop3A_169, %parallel_loop3A_130 : vector<16xf32>
      %parallel_loop3A_171 = arith.constant -1.000000e+30 : f32
      %parallel_loop3A_172 = vector.broadcast %parallel_loop3A_171 : f32 to vector<16xf32>
      %parallel_loop3A_173 = arith.select %lt3A_125, %parallel_loop3A_170, %parallel_loop3A_172 : vector<16xi1>, vector<16xf32>
      %parallel_loop3A_174 = arith.maximumf %parallel_loop3A_140, %parallel_loop3A_150 : vector<16xf32>
      %parallel_loop3A_175 = arith.maximumf %parallel_loop3A_160, %parallel_loop3A_173 : vector<16xf32>
      %parallel_loop3A_176 = arith.maximumf %parallel_loop3A_174, %parallel_loop3A_175 : vector<16xf32>
      %parallel_loop3A_177 = arith.constant true
      %parallel_loop3A_178 = vector.broadcast %parallel_loop3A_177 : i1 to vector<16xi1>
      %parallel_loop3A_179 = tpu.scan <max>, %parallel_loop3A_176 masked %parallel_loop3A_178 : vector<16xf32>, vector<16xi1> -> vector<16xf32>
      %parallel_loop3A_180 = vector.extract %parallel_loop3A_179[15] : f32 from vector<16xf32>
      %parallel_loop3A_181 = vector.broadcast %parallel_loop3A_180 : f32 to vector<16xf32>
      %parallel_loop3A_182 = arith.subf %parallel_loop3A_140, %parallel_loop3A_181 : vector<16xf32>
      %parallel_loop3A_183 = math.exp %parallel_loop3A_182 : vector<16xf32>
      %parallel_loop3A_184 = vector.broadcast %parallel_loop3A_180 : f32 to vector<16xf32>
      %parallel_loop3A_185 = arith.subf %parallel_loop3A_150, %parallel_loop3A_184 : vector<16xf32>
      %parallel_loop3A_186 = math.exp %parallel_loop3A_185 : vector<16xf32>
      %parallel_loop3A_187 = vector.broadcast %parallel_loop3A_180 : f32 to vector<16xf32>
      %parallel_loop3A_188 = arith.subf %parallel_loop3A_160, %parallel_loop3A_187 : vector<16xf32>
      %parallel_loop3A_189 = math.exp %parallel_loop3A_188 : vector<16xf32>
      %parallel_loop3A_190 = vector.broadcast %parallel_loop3A_180 : f32 to vector<16xf32>
      %parallel_loop3A_191 = arith.subf %parallel_loop3A_173, %parallel_loop3A_190 : vector<16xf32>
      %parallel_loop3A_192 = math.exp %parallel_loop3A_191 : vector<16xf32>
      %parallel_loop3A_193 = arith.addf %parallel_loop3A_183, %parallel_loop3A_186 : vector<16xf32>
      %parallel_loop3A_194 = arith.addf %parallel_loop3A_189, %parallel_loop3A_192 : vector<16xf32>
      %parallel_loop3A_195 = arith.addf %parallel_loop3A_193, %parallel_loop3A_194 : vector<16xf32>
      %parallel_loop3A_196 = arith.constant true
      %parallel_loop3A_197 = vector.broadcast %parallel_loop3A_196 : i1 to vector<16xi1>
      %parallel_loop3A_198 = tpu.scan <sum>, %parallel_loop3A_195 masked %parallel_loop3A_197 : vector<16xf32>, vector<16xi1> -> vector<16xf32>
      %parallel_loop3A_199 = vector.extract %parallel_loop3A_198[15] : f32 from vector<16xf32>
      %parallel_loop3A_200 = vector.broadcast %parallel_loop3A_199 : f32 to vector<16xf32>
      %parallel_loop3A_201 = arith.constant 1.000000e+00 : f32
      %parallel_loop3A_202 = vector.broadcast %parallel_loop3A_201 : f32 to vector<16xf32>
      %parallel_loop3A_203 = arith.divf %parallel_loop3A_202, %parallel_loop3A_200 : vector<16xf32>
      %parallel_loop3A_204 = arith.mulf %parallel_loop3A_183, %parallel_loop3A_203 : vector<16xf32>
      %parallel_loop3A_205 = arith.index_cast %parallel_loop3A_128 : i32 to index
      %parallel_loop3A_206 = arith.constant 0 : index
      %parallel_loop3A_207 = tpu.vector_load %arg7[%parallel_loop3A_205, %parallel_loop3A_206] {strides = array<i32>} : memref<128x128xf32, #tpu.memory_space<vmem>>, vector<16xf32>,
      tpu.vector_store %arg7[%parallel_loop3A_205, %parallel_loop3A_206], %parallel_loop3A_204 {strides = array<i32>} : memref<128x128xf32, #tpu.memory_space<vmem>>, vector<16xf32>,
      %parallel_loop3A_208 = arith.mulf %parallel_loop3A_186, %parallel_loop3A_203 : vector<16xf32>
      %parallel_loop3A_209 = arith.index_cast %parallel_loop3A_128 : i32 to index
      %parallel_loop3A_210 = arith.constant 16 : index
      %parallel_loop3A_211 = tpu.vector_load %arg7[%parallel_loop3A_209, %parallel_loop3A_210] {strides = array<i32>} : memref<128x128xf32, #tpu.memory_space<vmem>>, vector<16xf32>,
      tpu.vector_store %arg7[%parallel_loop3A_209, %parallel_loop3A_210], %parallel_loop3A_208 {strides = array<i32>} : memref<128x128xf32, #tpu.memory_space<vmem>>, vector<16xf32>,
      %parallel_loop3A_212 = arith.mulf %parallel_loop3A_189, %parallel_loop3A_203 : vector<16xf32>
      %parallel_loop3A_213 = arith.index_cast %parallel_loop3A_128 : i32 to index
      %parallel_loop3A_214 = arith.constant 32 : index
      %parallel_loop3A_215 = tpu.vector_load %arg7[%parallel_loop3A_213, %parallel_loop3A_214] {strides = array<i32>} : memref<128x128xf32, #tpu.memory_space<vmem>>, vector<16xf32>,
      tpu.vector_store %arg7[%parallel_loop3A_213, %parallel_loop3A_214], %parallel_loop3A_212 {strides = array<i32>} : memref<128x128xf32, #tpu.memory_space<vmem>>, vector<16xf32>,
      %parallel_loop3A_216 = arith.mulf %parallel_loop3A_192, %parallel_loop3A_203 : vector<16xf32>
      %parallel_loop3A_217 = arith.index_cast %parallel_loop3A_128 : i32 to index
      %parallel_loop3A_218 = arith.constant 48 : index
      %parallel_loop3A_219 = tpu.vector_load %arg7[%parallel_loop3A_217, %parallel_loop3A_218] {strides = array<i32>} : memref<128x128xf32, #tpu.memory_space<vmem>>, vector<16xf32>,
      tpu.vector_store %arg7[%parallel_loop3A_217, %parallel_loop3A_218], %parallel_loop3A_216 {strides = array<i32>} : memref<128x128xf32, #tpu.memory_space<vmem>>, vector<16xf32>,
    } {sc.loop_unroll_factor = 4 : i64, sc.parallel_access}
    "tpu.region"() ({
      %run_scoped3A = tpu.sem_alloc : memref<!tpu.dma_semaphore, #tpu.memory_space<semaphore_mem>>
      %dma_start3A_128 = arith.constant 0 : i32
      %dma_start3A_129 = tpu.memref_slice %arg4[%mul3A_2, %dma_start3A_128] : memref<4096x128xf32, #tpu.memory_space<hbm>> -> memref<128x128xf32, #tpu.memory_space<hbm>>
      %dma_start3A_130 = arith.constant 0 : i32
      %dma_start3A_131 = tpu.memref_slice %arg4[%mul3A_2, %dma_start3A_130] : memref<4096x128xf32, #tpu.memory_space<hbm>> -> memref<128x128xf32, #tpu.memory_space<hbm>>
      tpu.enqueue_dma source(%arg7 : memref<128x128xf32, #tpu.memory_space<vmem>>) target(%dma_start3A_131 : memref<128x128xf32, #tpu.memory_space<hbm>>) target_semaphore(%run_scoped3A : memref<!tpu.dma_semaphore, #tpu.memory_space<semaphore_mem>>)
      %dma_wait3A_132 = arith.constant 0 : i32
      %dma_wait3A_133 = tpu.memref_slice %arg4[%mul3A_2, %dma_wait3A_132] : memref<4096x128xf32, #tpu.memory_space<hbm>> -> memref<128x128xf32, #tpu.memory_space<hbm>>
      %dma_wait3A_134 = arith.constant 0 : i32
      %dma_wait3A_135 = tpu.memref_slice %arg4[%mul3A_2, %dma_wait3A_134] : memref<4096x128xf32, #tpu.memory_space<hbm>> -> memref<128x128xf32, #tpu.memory_space<hbm>>
      tpu.wait_dma2 semaphore(%run_scoped3A : memref<!tpu.dma_semaphore, #tpu.memory_space<semaphore_mem>>) src(%arg7 : memref<128x128xf32, #tpu.memory_space<vmem>>) dst(%dma_wait3A_135 : memref<128x128xf32, #tpu.memory_space<hbm>>)
      tpu.yield
    }) : () -> ()
    return
  }
}

module attributes {stable_mosaic.version = 14 : i64} {
  func.func @_mm_prefix_body(%arg0: i32, %arg1: memref<4096x768xf32, #tpu.memory_space<vmem>>, %arg2: memref<53x768xf32, #tpu.memory_space<vmem>>, %arg3: memref<1x53xf32, #tpu.memory_space<vmem>>, %arg4: memref<4096x128xf32, #tpu.memory_space<vmem>>, %arg5: memref<1x128xf32, #tpu.memory_space<vmem>>) attributes {dimension_semantics = [#tpu.dimension_semantics<arbitrary>], iteration_bounds = array<i64: 4>, scalar_prefetch = 0 : i64, scratch_operands = 1 : i64, tpu.core_type = #tpu.core_type<tc>, window_params = [{transform_indices = @transform_0, window_bounds = array<i64: 4096, 768>}, {pipeline_mode = #tpu.pipeline_mode<synchronous>, transform_indices = @transform_1, window_bounds = array<i64: 53, 768>}, {pipeline_mode = #tpu.pipeline_mode<synchronous>, transform_indices = @transform_2, window_bounds = array<i64: 1, 53>}, {transform_indices = @transform_3, window_bounds = array<i64: 4096, 128>}]} {
    %eq3A = arith.constant 0 : i32
    %eq3A_0 = arith.cmpi eq, %arg0, %eq3A : i32
    %convert_element_type3A = arith.extui %eq3A_0 : i1 to i32
    %cond3A = arith.constant 0 : i32
    %cond3A_1 = arith.cmpi ne, %convert_element_type3A, %cond3A : i32
    scf.if %cond3A_1 {
      %broadcast_in_dim3A_127 = arith.constant 0.000000e+00 : f32
      %broadcast_in_dim3A_128 = vector.broadcast %broadcast_in_dim3A_127 : f32 to vector<1x128xf32>
      %swap3A_129 = arith.constant 0 : index
      %swap3A_130 = arith.constant 0 : index
      %swap3A_131 = vector.load %arg5[%swap3A_129, %swap3A_130] : memref<1x128xf32, #tpu.memory_space<vmem>>, vector<1x128xf32>
      tpu.vector_store %arg5[%swap3A_129, %swap3A_130], %broadcast_in_dim3A_128 {strides = array<i32>} : memref<1x128xf32, #tpu.memory_space<vmem>>, vector<1x128xf32>,
    } else {
    }
    %get3A = arith.constant 0 : index
    %get3A_2 = arith.constant 0 : index
    %get3A_3 = vector.load %arg1[%get3A, %get3A_2] : memref<4096x768xf32, #tpu.memory_space<vmem>>, vector<4096x768xf32>
    %get3A_4 = arith.constant 0 : index
    %get3A_5 = arith.constant 0 : index
    %get3A_6 = vector.load %arg2[%get3A_4, %get3A_5] : memref<53x768xf32, #tpu.memory_space<vmem>>, vector<53x768xf32>
    %dot_general3A = arith.constant dense<0.000000e+00> : vector<4096x53xf32>
    %dot_general3A_7 = tpu.matmul %get3A_3, %get3A_6, %dot_general3A {dimension_numbers = #tpu.dot_dimension_numbers<[1], [1], [0], [0], [0, 0, 1, 0], [], []>, transpose_lhs_hint = false} : vector<4096x768xf32>, vector<53x768xf32>, vector<4096x53xf32> -> vector<4096x53xf32>
    %get3A_8 = arith.constant 0 : index
    %get3A_9 = arith.constant 0 : index
    %get3A_10 = vector.load %arg3[%get3A_8, %get3A_9] : memref<1x53xf32, #tpu.memory_space<vmem>>, vector<1x53xf32>
    %add3A = vector.broadcast %get3A_10 : vector<1x53xf32> to vector<4096x53xf32>
    %add3A_11 = arith.addf %dot_general3A_7, %add3A : vector<4096x53xf32>
    %broadcast_in_dim3A = arith.constant 0.000000e+00 : f32
    %broadcast_in_dim3A_12 = vector.broadcast %broadcast_in_dim3A : f32 to vector<4096x75xf32>
    %concatenate3A = tpu.concatenate %add3A_11, %broadcast_in_dim3A_12 in 1 : vector<4096x53xf32>, vector<4096x75xf32> -> vector<4096x128xf32>
    %iota3A = tpu.iota {dimensions = array<i32: 0>} : vector<4096x128xi32>
    %ge3A = arith.constant 1 : i32
    %ge3A_13 = vector.broadcast %ge3A : i32 to vector<4096x128xi32>
    %ge3A_14 = arith.cmpi sge, %iota3A, %ge3A_13 : vector<4096x128xi32>
    %roll3A = arith.constant 1 : i32
    %roll3A_15 = tpu.dynamic_rotate %concatenate3A by %roll3A dim 0 : vector<4096x128xf32>, i32 -> vector<4096x128xf32>
    %jit3A = arith.constant 0.000000e+00 : f32
    %broadcast_in_dim3A_16 = vector.broadcast %jit3A : f32 to vector<4096x128xf32>
    %select_n3A = arith.select %ge3A_14, %roll3A_15, %broadcast_in_dim3A_16 : vector<4096x128xi1>, vector<4096x128xf32>
    %add3A_17 = arith.addf %concatenate3A, %select_n3A : vector<4096x128xf32>
    %ge3A_18 = arith.constant 2 : i32
    %ge3A_19 = vector.broadcast %ge3A_18 : i32 to vector<4096x128xi32>
    %ge3A_20 = arith.cmpi sge, %iota3A, %ge3A_19 : vector<4096x128xi32>
    %roll3A_21 = arith.constant 2 : i32
    %roll3A_22 = tpu.dynamic_rotate %add3A_17 by %roll3A_21 dim 0 : vector<4096x128xf32>, i32 -> vector<4096x128xf32>
    %jit3A_23 = arith.constant 0.000000e+00 : f32
    %broadcast_in_dim3A_24 = vector.broadcast %jit3A_23 : f32 to vector<4096x128xf32>
    %select_n3A_25 = arith.select %ge3A_20, %roll3A_22, %broadcast_in_dim3A_24 : vector<4096x128xi1>, vector<4096x128xf32>
    %add3A_26 = arith.addf %add3A_17, %select_n3A_25 : vector<4096x128xf32>
    %ge3A_27 = arith.constant 4 : i32
    %ge3A_28 = vector.broadcast %ge3A_27 : i32 to vector<4096x128xi32>
    %ge3A_29 = arith.cmpi sge, %iota3A, %ge3A_28 : vector<4096x128xi32>
    %roll3A_30 = arith.constant 4 : i32
    %roll3A_31 = tpu.dynamic_rotate %add3A_26 by %roll3A_30 dim 0 : vector<4096x128xf32>, i32 -> vector<4096x128xf32>
    %jit3A_32 = arith.constant 0.000000e+00 : f32
    %broadcast_in_dim3A_33 = vector.broadcast %jit3A_32 : f32 to vector<4096x128xf32>
    %select_n3A_34 = arith.select %ge3A_29, %roll3A_31, %broadcast_in_dim3A_33 : vector<4096x128xi1>, vector<4096x128xf32>
    %add3A_35 = arith.addf %add3A_26, %select_n3A_34 : vector<4096x128xf32>
    %ge3A_36 = arith.constant 8 : i32
    %ge3A_37 = vector.broadcast %ge3A_36 : i32 to vector<4096x128xi32>
    %ge3A_38 = arith.cmpi sge, %iota3A, %ge3A_37 : vector<4096x128xi32>
    %roll3A_39 = arith.constant 8 : i32
    %roll3A_40 = tpu.dynamic_rotate %add3A_35 by %roll3A_39 dim 0 : vector<4096x128xf32>, i32 -> vector<4096x128xf32>
    %jit3A_41 = arith.constant 0.000000e+00 : f32
    %broadcast_in_dim3A_42 = vector.broadcast %jit3A_41 : f32 to vector<4096x128xf32>
    %select_n3A_43 = arith.select %ge3A_38, %roll3A_40, %broadcast_in_dim3A_42 : vector<4096x128xi1>, vector<4096x128xf32>
    %add3A_44 = arith.addf %add3A_35, %select_n3A_43 : vector<4096x128xf32>
    %ge3A_45 = arith.constant 16 : i32
    %ge3A_46 = vector.broadcast %ge3A_45 : i32 to vector<4096x128xi32>
    %ge3A_47 = arith.cmpi sge, %iota3A, %ge3A_46 : vector<4096x128xi32>
    %roll3A_48 = arith.constant 16 : i32
    %roll3A_49 = tpu.dynamic_rotate %add3A_44 by %roll3A_48 dim 0 : vector<4096x128xf32>, i32 -> vector<4096x128xf32>
    %jit3A_50 = arith.constant 0.000000e+00 : f32
    %broadcast_in_dim3A_51 = vector.broadcast %jit3A_50 : f32 to vector<4096x128xf32>
    %select_n3A_52 = arith.select %ge3A_47, %roll3A_49, %broadcast_in_dim3A_51 : vector<4096x128xi1>, vector<4096x128xf32>
    %add3A_53 = arith.addf %add3A_44, %select_n3A_52 : vector<4096x128xf32>
    %ge3A_54 = arith.constant 32 : i32
    %ge3A_55 = vector.broadcast %ge3A_54 : i32 to vector<4096x128xi32>
    %ge3A_56 = arith.cmpi sge, %iota3A, %ge3A_55 : vector<4096x128xi32>
    %roll3A_57 = arith.constant 32 : i32
    %roll3A_58 = tpu.dynamic_rotate %add3A_53 by %roll3A_57 dim 0 : vector<4096x128xf32>, i32 -> vector<4096x128xf32>
    %jit3A_59 = arith.constant 0.000000e+00 : f32
    %broadcast_in_dim3A_60 = vector.broadcast %jit3A_59 : f32 to vector<4096x128xf32>
    %select_n3A_61 = arith.select %ge3A_56, %roll3A_58, %broadcast_in_dim3A_60 : vector<4096x128xi1>, vector<4096x128xf32>
    %add3A_62 = arith.addf %add3A_53, %select_n3A_61 : vector<4096x128xf32>
    %ge3A_63 = arith.constant 64 : i32
    %ge3A_64 = vector.broadcast %ge3A_63 : i32 to vector<4096x128xi32>
    %ge3A_65 = arith.cmpi sge, %iota3A, %ge3A_64 : vector<4096x128xi32>
    %roll3A_66 = arith.constant 64 : i32
    %roll3A_67 = tpu.dynamic_rotate %add3A_62 by %roll3A_66 dim 0 : vector<4096x128xf32>, i32 -> vector<4096x128xf32>
    %jit3A_68 = arith.constant 0.000000e+00 : f32
    %broadcast_in_dim3A_69 = vector.broadcast %jit3A_68 : f32 to vector<4096x128xf32>
    %select_n3A_70 = arith.select %ge3A_65, %roll3A_67, %broadcast_in_dim3A_69 : vector<4096x128xi1>, vector<4096x128xf32>
    %add3A_71 = arith.addf %add3A_62, %select_n3A_70 : vector<4096x128xf32>
    %ge3A_72 = arith.constant 128 : i32
    %ge3A_73 = vector.broadcast %ge3A_72 : i32 to vector<4096x128xi32>
    %ge3A_74 = arith.cmpi sge, %iota3A, %ge3A_73 : vector<4096x128xi32>
    %roll3A_75 = arith.constant 128 : i32
    %roll3A_76 = tpu.dynamic_rotate %add3A_71 by %roll3A_75 dim 0 : vector<4096x128xf32>, i32 -> vector<4096x128xf32>
    %jit3A_77 = arith.constant 0.000000e+00 : f32
    %broadcast_in_dim3A_78 = vector.broadcast %jit3A_77 : f32 to vector<4096x128xf32>
    %select_n3A_79 = arith.select %ge3A_74, %roll3A_76, %broadcast_in_dim3A_78 : vector<4096x128xi1>, vector<4096x128xf32>
    %add3A_80 = arith.addf %add3A_71, %select_n3A_79 : vector<4096x128xf32>
    %ge3A_81 = arith.constant 256 : i32
    %ge3A_82 = vector.broadcast %ge3A_81 : i32 to vector<4096x128xi32>
    %ge3A_83 = arith.cmpi sge, %iota3A, %ge3A_82 : vector<4096x128xi32>
    %roll3A_84 = arith.constant 256 : i32
    %roll3A_85 = tpu.dynamic_rotate %add3A_80 by %roll3A_84 dim 0 : vector<4096x128xf32>, i32 -> vector<4096x128xf32>
    %jit3A_86 = arith.constant 0.000000e+00 : f32
    %broadcast_in_dim3A_87 = vector.broadcast %jit3A_86 : f32 to vector<4096x128xf32>
    %select_n3A_88 = arith.select %ge3A_83, %roll3A_85, %broadcast_in_dim3A_87 : vector<4096x128xi1>, vector<4096x128xf32>
    %add3A_89 = arith.addf %add3A_80, %select_n3A_88 : vector<4096x128xf32>
    %ge3A_90 = arith.constant 512 : i32
    %ge3A_91 = vector.broadcast %ge3A_90 : i32 to vector<4096x128xi32>
    %ge3A_92 = arith.cmpi sge, %iota3A, %ge3A_91 : vector<4096x128xi32>
    %roll3A_93 = arith.constant 512 : i32
    %roll3A_94 = tpu.dynamic_rotate %add3A_89 by %roll3A_93 dim 0 : vector<4096x128xf32>, i32 -> vector<4096x128xf32>
    %jit3A_95 = arith.constant 0.000000e+00 : f32
    %broadcast_in_dim3A_96 = vector.broadcast %jit3A_95 : f32 to vector<4096x128xf32>
    %select_n3A_97 = arith.select %ge3A_92, %roll3A_94, %broadcast_in_dim3A_96 : vector<4096x128xi1>, vector<4096x128xf32>
    %add3A_98 = arith.addf %add3A_89, %select_n3A_97 : vector<4096x128xf32>
    %ge3A_99 = arith.constant 1024 : i32
    %ge3A_100 = vector.broadcast %ge3A_99 : i32 to vector<4096x128xi32>
    %ge3A_101 = arith.cmpi sge, %iota3A, %ge3A_100 : vector<4096x128xi32>
    %roll3A_102 = arith.constant 1024 : i32
    %roll3A_103 = tpu.dynamic_rotate %add3A_98 by %roll3A_102 dim 0 : vector<4096x128xf32>, i32 -> vector<4096x128xf32>
    %jit3A_104 = arith.constant 0.000000e+00 : f32
    %broadcast_in_dim3A_105 = vector.broadcast %jit3A_104 : f32 to vector<4096x128xf32>
    %select_n3A_106 = arith.select %ge3A_101, %roll3A_103, %broadcast_in_dim3A_105 : vector<4096x128xi1>, vector<4096x128xf32>
    %add3A_107 = arith.addf %add3A_98, %select_n3A_106 : vector<4096x128xf32>
    %ge3A_108 = arith.constant 2048 : i32
    %ge3A_109 = vector.broadcast %ge3A_108 : i32 to vector<4096x128xi32>
    %ge3A_110 = arith.cmpi sge, %iota3A, %ge3A_109 : vector<4096x128xi32>
    %roll3A_111 = arith.constant 2048 : i32
    %roll3A_112 = tpu.dynamic_rotate %add3A_107 by %roll3A_111 dim 0 : vector<4096x128xf32>, i32 -> vector<4096x128xf32>
    %jit3A_113 = arith.constant 0.000000e+00 : f32
    %broadcast_in_dim3A_114 = vector.broadcast %jit3A_113 : f32 to vector<4096x128xf32>
    %select_n3A_115 = arith.select %ge3A_110, %roll3A_112, %broadcast_in_dim3A_114 : vector<4096x128xi1>, vector<4096x128xf32>
    %add3A_116 = arith.addf %add3A_107, %select_n3A_115 : vector<4096x128xf32>
    %get3A_117 = arith.constant 0 : index
    %get3A_118 = arith.constant 0 : index
    %get3A_119 = vector.load %arg5[%get3A_117, %get3A_118] : memref<1x128xf32, #tpu.memory_space<vmem>>, vector<1x128xf32>
    %add3A_120 = vector.broadcast %get3A_119 : vector<1x128xf32> to vector<4096x128xf32>
    %add3A_121 = arith.addf %add3A_116, %add3A_120 : vector<4096x128xf32>
    %swap3A = arith.constant 0 : index
    %swap3A_122 = arith.constant 0 : index
    %swap3A_123 = vector.load %arg4[%swap3A, %swap3A_122] : memref<4096x128xf32, #tpu.memory_space<vmem>>, vector<4096x128xf32>
    tpu.vector_store %arg4[%swap3A, %swap3A_122], %add3A_121 {strides = array<i32>} : memref<4096x128xf32, #tpu.memory_space<vmem>>, vector<4096x128xf32>,
    %slice3A = vector.extract_strided_slice %add3A_121 {offsets = [4095, 0], sizes = [1, 128], strides = [1, 1]} : vector<4096x128xf32> to vector<1x128xf32>
    %swap3A_124 = arith.constant 0 : index
    %swap3A_125 = arith.constant 0 : index
    %swap3A_126 = vector.load %arg5[%swap3A_124, %swap3A_125] : memref<1x128xf32, #tpu.memory_space<vmem>>, vector<1x128xf32>
    tpu.vector_store %arg5[%swap3A_124, %swap3A_125], %slice3A {strides = array<i32>} : memref<1x128xf32, #tpu.memory_space<vmem>>, vector<1x128xf32>,
    return
  }
  func.func @transform_0(%arg0: i32) -> (i32, i32) {
    %c0_i32 = arith.constant 0 : i32
    %c0_i32_0 = arith.constant 0 : i32
    return %arg0, %c0_i32 : i32, i32
  }
  func.func @transform_1(%arg0: i32) -> (i32, i32) {
    %c0_i32 = arith.constant 0 : i32
    %c0_i32_0 = arith.constant 0 : i32
    %c0_i32_1 = arith.constant 0 : i32
    return %c0_i32, %c0_i32_0 : i32, i32
  }
  func.func @transform_2(%arg0: i32) -> (i32, i32) {
    %c0_i32 = arith.constant 0 : i32
    %c0_i32_0 = arith.constant 0 : i32
    %c0_i32_1 = arith.constant 0 : i32
    return %c0_i32, %c0_i32_0 : i32, i32
  }
  func.func @transform_3(%arg0: i32) -> (i32, i32) {
    %c0_i32 = arith.constant 0 : i32
    %c0_i32_0 = arith.constant 0 : i32
    return %arg0, %c0_i32 : i32, i32
  }
}

</mosaic_0001>

<sc_bundles>
// kernel: kernel.4.cloned.1.call-start
scs
__scs_entry_jumppad:
0x0: {  	(pc) =	sbr.rel $0x88, $3  }
0x1: {  	(tag) =	ssettag $0x0;
	lr =	simm.s32 $0x1  }
0x2: {  	[smem:$0x3F9D] =	sst lr;
	_ =	strace $0xD0000000  }
0x3: {  	_ = 	snop  }
0x4: {  	_ = 	snop  }
0x5: {  	_ = 	snop  }
0x6: {  	_ = 	snop  }
0x7: {  	_ = 	snop  }
__scs_overlays_trampoline_lowered:
0x8: {  	[smem:$0x3FAC] =	sst s0  }
0x9: {  	[smem:$0x3FAD] =	sst s1  }
0xa: {  	[smem:$0x3FAE] =	sst s2  }
0xb: {  	[smem:$0x3FAF] =	sst s3  }
0xc: {  	[smem:$0x3FB0] =	sst s4  }
0xd: {  	[smem:$0x3FB1] =	sst s5  }
0xe: {  	[smem:$0x3FB2] =	sst s6  }
0xf: {  	[smem:$0x3FB3] =	sst s7  }
0x10: {  	[smem:$0x3FB4] =	sst s8  }
0x11: {  	[smem:$0x3FB5] =	sst s9;
	s0 =	simm.s32 @!p0 $0x0  }
0x12: {  	s1 =	sld [smem:$0x3F9B];
	s0 =	simm.s32 @p0 $0x1  }
0x13: {  	[smem:$0x3FB6] =	sst s0;
	s0 =	simm.s32 @!p1 $0x0  }
0x14: {  	s2 =	sld [smem:$0x3F9A];
	s0 =	simm.s32 @p1 $0x1  }
0x15: {  	[smem:$0x3FB7] =	sst s0;
	s0 =	simm.s32 @!p2 $0x0  }
0x16: {  	s3 =	sld [smem:$0x3FDB];
	s0 =	simm.s32 @p2 $0x1  }
0x17: {  	s4 =	simm.s32 $0x1BF5;
	[smem:$0x3FB9] =	sst s0  }
0x18: {  	s0 =	sld [smem:$0x3F9C];
	_ =	swait.ge [sflag:s4], $0x0  }
0x19: {  	s7 =	sld [smem:$0x3F9D]  }
0x1a: {  	s8 =	sadd.s32 $0xFFFFE003, lr  }
0x1b: {  	s9 =	sadd.s32 $0xFFFFFEF7, lr;
	s5 =	simm.s32 $0xFFFFFFFF;
	p2 =	slt.u32 s8, $0xFFFFF086  }
0x1c: {  	p1 =	slt.u32 s9, $0xF7A;
	s5 =	simm.s32 @!p2 $0x0  }
0x1d: {  	s5 =	simm.s32 @p1 $0x1;
	p0 =	seq.s32 s7, s2  }
0x1e: {  	s7 =	smul.u32 @!p0 $0xF7A, s2;
	p2 =	seq.s32 @!p0 s5, $0x0  }
0x1f: {  	s9 =	smul.u32 $0xF7A, s1;
	s8 =	simm.s32 @!p0 $0x1BF5;
	p2 =	por !p2, p0  }
0x20: {  	[sflag:s8] =	ssyncset.s32 @!p0 $0xFFFFF086;
	s6 =	sadd.s32 @!p0 s3, s7;
	s7 =	simm.s32 @!p0 $0x108  }
0x21: {  	s3 =	sadd.s32 s3, s9;
	s6 =	sadd.s32 @!p0 $0x88, s6;
	s7 =	simm.s32 @p2 $0x1082  }
0x22: {  	[simem:s7], [sflag:s8] =	dma.local @!p0 [hbm:s6], $0xF7A  }
0x23: {  	s9 =	sor.u32 $0xD0000000, s2;
	s6 =	simm.s32 $0x108;
	_ =	swait.ge @!p0 [sflag:s8], $0x0  }
0x24: {  	s3 =	sadd.s32 $0x88, s3;
	s6 =	simm.s32 @!p1 $0x1082;
	[sflag:s4] =	ssyncset.s32 $0xFFFFF086  }
0x25: {  	[simem:s6], [sflag:s4] =	dma.local [hbm:s3], $0xF7A  }
0x26: {  	[smem:$0x3F9D] =	sst s1;
	(tag) =	ssettag s2;
	_ =	strace s9  }
0x27: {  	s1 =	sld [smem:$0x3FAD]  }
0x28: {  	s2 =	sld [smem:$0x3FAE]  }
0x29: {  	s4 =	sld [smem:$0x3FB0]  }
0x2a: {  	p0 =	seq.s32 s5, $0x0;
	s5 =	sld [smem:$0x3FB1]  }
0x2b: {  	s6 =	sld [smem:$0x3FB2]  }
0x2c: {  	s7 =	sld [smem:$0x3FB3]  }
0x2d: {  	s3 =	simm.s32 $0x108;
	s8 =	sld [smem:$0x3FB4]  }
0x2e: {  	s3 =	simm.s32 @!p0 $0x1082;
	s9 =	sld [smem:$0x3FB5]  }
0x2f: {  	lr =	sadd.s32 s0, s3;
	s0 =	sld [smem:$0x3FAC]  }
0x30: {  	s3 =	sld [smem:$0x3FAF]  }
0x31: {  	[smem:$0x3FB8] =	sst s10  }
0x32: {  	s10 =	sld [smem:$0x3FB6];
	_ =	sdelay $0x3  }
0x33: {  	p0 =	seq.s32 s10, $0x1;
	s10 =	sld [smem:$0x3FB8];
	_ =	sdelay $0x3  }
0x34: {  	[smem:$0x3FB8] =	sst s10  }
0x35: {  	s10 =	sld [smem:$0x3FB7];
	_ =	sdelay $0x3  }
0x36: {  	p1 =	seq.s32 s10, $0x1;
	s10 =	sld [smem:$0x3FB8];
	_ =	sdelay $0x3  }
0x37: {  	[smem:$0x3FB8] =	sst s10  }
0x38: {  	s10 =	sld [smem:$0x3FB9]  }
0x39: {  	_ = 	snop;
	(pc) =	sbr.ind lr, $3  }
0x3a: {  	_ = 	snop  }
0x3b: {  	_ = 	snop  }
0x3c: {  	p2 =	seq.s32 s10, $0x1;
	s10 =	sld [smem:$0x3FB8]  }
0x3d: {  	_ =	shalt  }
0x3e: {  	_ =	shalt  }
0x3f: {  	_ =	shalt  }
0x40: {  	_ =	shalt  }
0x41: {  	_ =	shalt  }
0x42: {  	_ =	shalt  }
0x43: {  	_ =	shalt  }
0x44: {  	_ =	shalt  }
0x45: {  	_ =	shalt  }
0x46: {  	_ =	shalt  }
0x47: {  	_ =	shalt  }
0x48: {  	_ =	shalt  }
0x49: {  	_ =	shalt  }
0x4a: {  	_ =	shalt  }
0x4b: {  	_ =	shalt  }
0x4c: {  	_ =	shalt  }
0x4d: {  	_ =	shalt  }
0x4e: {  	_ =	shalt  }
0x4f: {  	_ =	shalt  }
0x50: {  	_ =	shalt  }
0x51: {  	_ =	shalt  }
0x52: {  	_ =	shalt  }
0x53: {  	_ =	shalt  }
0x54: {  	_ =	shalt  }
0x55: {  	_ =	shalt  }
0x56: {  	_ =	shalt  }
0x57: {  	_ =	shalt  }
0x58: {  	_ =	shalt  }
0x59: {  	_ =	shalt  }
0x5a: {  	_ =	shalt  }
0x5b: {  	_ =	shalt  }
0x5c: {  	_ =	shalt  }
0x5d: {  	_ =	shalt  }
0x5e: {  	_ =	shalt  }
0x5f: {  	_ =	shalt  }
0x60: {  	_ =	shalt  }
0x61: {  	_ =	shalt  }
0x62: {  	_ =	shalt  }
0x63: {  	_ =	shalt  }
0x64: {  	_ =	shalt  }
0x65: {  	_ =	shalt  }
0x66: {  	_ =	shalt  }
0x67: {  	_ =	shalt  }
0x68: {  	_ =	shalt  }
0x69: {  	_ =	shalt  }
0x6a: {  	_ =	shalt  }
0x6b: {  	_ =	shalt  }
0x6c: {  	_ =	shalt  }
0x6d: {  	_ =	shalt  }
0x6e: {  	_ =	shalt  }
0x6f: {  	_ =	shalt  }
0x70: {  	_ =	shalt  }
0x71: {  	_ =	shalt  }
0x72: {  	_ =	shalt  }
0x73: {  	_ =	shalt  }
0x74: {  	_ =	shalt  }
0x75: {  	_ =	shalt  }
0x76: {  	_ =	shalt  }
0x77: {  	_ =	shalt  }
0x78: {  	_ =	shalt  }
0x79: {  	_ =	shalt  }
0x7a: {  	_ =	shalt  }
0x7b: {  	_ =	shalt  }
0x7c: {  	_ =	shalt  }
0x7d: {  	_ =	shalt  }
0x7e: {  	_ =	shalt  }
0x7f: {  	_ =	shalt  }
0x80: {  	_ =	shalt  }
0x81: {  	_ =	shalt  }
0x82: {  	_ =	shalt  }
0x83: {  	_ =	shalt  }
0x84: {  	_ =	shalt  }
0x85: {  	_ =	shalt  }
0x86: {  	_ =	shalt  }
0x87: {  	_ =	shalt  }
.Lfunc_end0:
.L_simem_size_0:
called_computation_lowered:
.L_overlay_start_0:
0x88: {  	s2 =	sld [smem:$0x3FD9]  }
0x89: {  	s3 =	sld [smem:$0x3FFE];
	_ =	sdelay $0x1  }
0x8a: {  	s1 =	srdreg.scid  }
0x8b: {  	s0 =	sand.u32 $0x1, s1  }
0x8c: {  	s17 =	sshll.u32 s0, $0xA;
	s2 =	sadd.s32 s3, s2  }
0x8d: {  	s2 =	sadd.s32 s2, s17  }
0x8e: {  	[smem:$0x3FC4] =	sst s2  }
0x8f: {  	_ = 	snop  }
0x90: {  	s2 =	sld [smem:$0x3FD0];
	(tm) =	ssettm $0x1  }
0x91: {  	s18 =	sld [smem:$0x3FFB];
	_ =	sdelay $0x3  }
0x92: {  	_ =	strace s18  }
0x93: {  	s3 =	sld [smem:$0x3FFC];
	_ =	sdelay $0x3  }
0x94: {  	_ =	strace s3  }
0x95: {  	s3 =	sld [smem:$0x3FFD];
	_ =	sdelay $0x3  }
0x96: {  	_ =	strace s3  }
0x97: {  	_ =	strace $0x8FFFFFFF  }
0x98: {  	s19 =	sld [smem:$0x3FDB];
	_ =	sdelay $0x1  }
0x99: {  	s4 =	simm.s32 $_scs_section_size  }
0x9a: {  	s5 =	simm.s32 $_size__tile_overlayer_lowered;
	s6 =	simm.s32 $_tile_overlayer_lowered  }
0x9b: {  	s22 =	simm.s32 $0x1BFF;
	s21 =	sshll.u32 s6, $0x1;
	s3 =	sadd.s32 s4, s19  }
0x9c: {  	s7 =	simm.s32 $0x0;
	s20 =	sshll.u32 s5, $0x1;
	s5 =	sadd.s32 s21, s3  }
0x9d: {  	[timem:s7], [sflag:s22] =	dma.local [hbm:s5], s20  }
0x9e: {  	_ =	swait.ge [sflag:s22], s20  }
0x9f: {  	s4 =	ssub.s32 $0x0, s20;
	[sflag:s22] =	ssyncset.done $0x0  }
0xa0: {  	[sflag:s22] =	ssyncadd.s32 s4;
	_ =	sdelay $0x1  }
0xa1: {  	s23 =	simm.s32 $0x1B8B  }
0xa2: {  	_ =	swait.ge [sflag:s23], $0x1  }
0xa3: {  	[sflag:s23] =	ssyncset.done $0x0  }
0xa4: {  	s25 =	simm.s32 $0x1B8E;
	s24 =	sld [smem:$0x3FFE];
	[sflag:s23] =	ssyncadd.s32 $0xFFFFFFFF  }
0xa5: {  	s26 =	simm.s32 $execute0_lowered;
	[smem:$0x3FD2] =	sst s25  }
0xa6: {  	s5 =	sshll.u32 s26, $0x1;
	_ =	strace $0x80000046;
	[dreg:$0x1] =	wrdreg $0xFFFFFFFF  }
0xa7: {  	s28 =	simm.s32 $_size_execute0_lowered;
	s3 =	sadd.s32 s3, s5;
	[dreg:$0x0] =	wrdreg $0x0  }
0xa8: {  	s5 =	sshll.u32 s28, $0x1;
	[dreg:$0x2] =	wrdreg s3  }
0xa9: {  	[dreg:$0x3] =	wrdreg s5  }
0xaa: {  	[dreg:$0x4] =	wrdreg $0xC0  }
0xab: {  	_ =	task [dreg:s7], $0x5FFFF  }
0xac: {  	[dreg:$0x1] =	wrdreg $0xFFFFFFFF  }
0xad: {  	[dreg:$0x0] =	wrdreg $0x60  }
0xae: {  	[dreg:$0x2] =	wrdreg s24  }
0xaf: {  	[dreg:$0x3] =	wrdreg s2  }
0xb0: {  	[dreg:$0x4] =	wrdreg $0x9  }
0xb1: {  	_ =	task.clear_ibuf [dreg:s7], $0x5FFFF;
	_ =	strace $0x90000046  }
0xb2: {  	s29 =	simm.s32 $0x9;
	_ =	strace $0x80000048  }
0xb3: {  	_ =	swait.ge [sflag:s29], $0x1  }
0xb4: {  	[sflag:s29] =	ssyncadd.s32 $0xFFFFFFFF  }
0xb5: {  	_ =	strace $0x90000048  }
0xb6: {  	_ =	sfence  }
0xb7: {  	s30 =	sld [smem:$0x0];
	_ =	sdelay $0x2  }
0xb8: {  	s31 =	sshll.u32 s1, $0xD;
	s1 =	sshrl.u32 s1, $0x2  }
0xb9: {  	s3 =	sand.u32 $0x4000, s31;
	s1 =	sadd.s32 s1, s30  }
0xba: {  	s0 =	sor.u32 s3, s0;
	s1 =	sshll.u32 s1, $0x11  }
0xbb: {  	s0 =	sor.u32 s1, s0  }
0xbc: {  	s0 =	sadd.s32 $0x8F2B, s0  }
0xbd: {  	[sflag:s0] =	ssyncadd.remote.s32 $0x1  }
0xbe: {  	_ =	sfence.sel $0xFFFF  }
0xbf: {  	[dreg:$0x0] =	wrdreg $0xFFFFFFFF;
	(pc) =	sbr.abs _section_cstart, $3  }
0xc0: {  	[dreg:$0x1] =	wrdreg $0xFFFFFFFF  }
0xc1: {  	_ =	task.clear_ibuf [dreg:s7], $0x2FFFF;
	_ =	strace $0x9FFFFFFF  }
0xc2: {  	(tm) =	ssettm $0x7FFFFFFF  }
0xc3: {  	_ =	shalt  }
tec
execute0_lowered:
.L_overlay_start_1:
0x0: {  	(tag) =	ssettag $0x1  }
0x1: {  	s4 =	rddreg [dreg:$0x0]  }
0x2: {  	s5 =	rddreg [dreg:$0x1]  }
0x3: {  	s0 =	rddreg [dreg:$0x2]  }
0x4: {  	s2 =	simm.s32 $0x0;
	s3 =	srdreg.scid;
	s1 =	stileid.u32  }
0x5: {  	s10 =	simm.s32 $0x10;
	s11 =	simm.s32 $0x4100;
	s12 =	simm.s32 $0x8900  }
0x6: {  	s13 =	simm.s32 $0x4900;
	s14 =	simm.s32 $0x0;
	[smem:$0x7FF] =	sst s2  }
0x7: {  	s3 =	sand.u32 $0x1, s3;
	s6 =	sshll.u32 s1, $0x1;
	_ =	strace $0x80000047  }
0x8: {  	s7 =	sor.u32 s3, s6;
	s30 =	ssub.s32 $0x2, s3;
	s3 =	sadd.s32 $0xA00, s4  }
0x9: {  	s8 =	sshll.u32 s7, $0xB;
	s9 =	sshrl.u32 s30, $0x1;
	s31 =	sshll.u32 s7, $0x4  }
0xa: {  	p0 =	sne.s32 s7, $0x0;
	s7 =	simm.s32 $0x2;
	s8 =	sadd.s32 s8, s4  }
0xb: {  	s6 =	ssub.s32 s30, s9;
	s4 =	sadd.s32 s5, s31;
	s9 =	simm.s32 $0x100  }
0xc: {  	vm1 =	vmmov $0x1f;
	vm0 =	vcmask @!p0 $0x300;
	s5 =	sadd.s32 $0x40A00, s8;
	s6 =	smax.u32 s6, $0x1;
	s8 =	simm.s32 $0x80  }
.LBB2_1:
0xd: {  	[tilespmem:s2], [sflag:$0x2] =	stream.linear.gather [hbm4b:s4+s2], $0x90, $0x38;
	[tilespmem:$0x8980] =	vst v63  }
0xe: {  	_ =	swait.ge [sflag:s7], $0x90  }
0xf: {  	[sflag:s7] =	ssyncset.done $0x0  }
0x10: {  	[sflag:s7] =	ssyncadd.s32 $0xFFFFFF70  }
0x11: {  	[tilespmem:s9], [sflag:$0x1] =	stream.indirect.gather [hbm4b:s3+s8], $0x80, s2, s8, $0xb8;
	[tilespmem:$0x8980] =	vst v63  }
0x12: {  	_ = 	snop  }
0x13: {  	[tilespmem:s11], [sflag:$0x1] =	stream.indirect.gather [hbm4b:s3+s10], $0x80, s8, s10, $0xb8;
	[tilespmem:$0x8980] =	vst v63  }
0x14: {  	v0 =	vld [tilespmem:$0x0]  }
0x15: {  	v1 =	vld [tilespmem:$0x1]  }
0x16: {  	v2 =	vld [tilespmem:$0x10]  }
0x17: {  	v3 =	vld [tilespmem:$0x11]  }
0x18: {  	v4 =	vld [tilespmem:$0x20]  }
0x19: {  	v5 =	vld [tilespmem:$0x21]  }
0x1a: {  	v6 =	vld [tilespmem:$0x30]  }
0x1b: {  	v7 =	vld [tilespmem:$0x31]  }
0x1c: {  	v8 =	vld [tilespmem:$0x40]  }
0x1d: {  	v9 =	vld [tilespmem:$0x41]  }
0x1e: {  	v10 =	vld [tilespmem:$0x50]  }
0x1f: {  	v11 =	vld [tilespmem:$0x51]  }
0x20: {  	v12 =	vld [tilespmem:$0x60]  }
0x21: {  	v0 =	vsub.s32 v1, v0;
	v1 =	vld [tilespmem:$0x61]  }
0x22: {  	v2 =	vsub.s32 v3, v2;
	v3 =	vld [tilespmem:$0x70];
	v0 =	vcvt.s32.f32 v0  }
0x23: {  	v4 =	vsub.s32 v5, v4;
	v5 =	vld [tilespmem:$0x71];
	v2 =	vcvt.s32.f32 v2  }
0x24: {  	(erf) = vrcp.f32 v0;
	v0 =	vcvt.s32.f32 v4;
	v4 =	vsub.s32 v7, v6  }
0x25: {  	(erf) = vrcp.f32 v2;
	v2 =	vcvt.s32.f32 v4;
	v4 =	vsub.s32 v9, v8  }
0x26: {  	(erf) = vrcp.f32 v0;
	v0 =	vcvt.s32.f32 v4;
	v4 =	vsub.s32 v11, v10  }
0x27: {  	v1 =	vsub.s32 v1, v12;
	(erf) = vrcp.f32 v2;
	v2 =	vcvt.s32.f32 v4  }
0x28: {  	(erf) = vrcp.f32 v0;
	v0 =	vcvt.s32.f32 v1;
	v1 =	vsub.s32 v5, v3  }
0x29: {  	(erf) = vrcp.f32 v2;
	v1 =	vcvt.s32.f32 v1  }
0x2a: {  	(erf) = vrcp.f32 v0  }
0x2b: {  	(erf) = vrcp.f32 v1;
	_ =	sdelay $0x1  }
0x2c: {  	v0 =	vpop (erf)  }
0x2d: {  	[tilespmem:$0x8900] =	vst v0;
	v0 =	vpop (erf)  }
0x2e: {  	[tilespmem:$0x8910] =	vst v0;
	v0 =	vpop (erf)  }
0x2f: {  	[tilespmem:$0x8920] =	vst v0;
	v0 =	vpop (erf)  }
0x30: {  	[tilespmem:$0x8930] =	vst v0;
	v0 =	vpop (erf)  }
0x31: {  	[tilespmem:$0x8940] =	vst v0;
	v0 =	vpop (erf)  }
0x32: {  	[tilespmem:$0x8950] =	vst v0;
	v0 =	vpop (erf)  }
0x33: {  	[tilespmem:$0x8960] =	vst v0;
	v0 =	vpop (erf)  }
0x34: {  	s15 =	simm.s32 @p0 $0x1;
	[tilespmem:$0x8970] =	vst v0  }
0x35: {  	_ =	swait.ge @p0 [sflag:s15], $0x4000  }
0x36: {  	[sflag:s15] =	ssyncset.done @p0 $0x0  }
0x37: {  	[sflag:s15] =	ssyncadd.s32 @p0 $0xFFFFC000  }
0x38: {  	_ =	swait.ge @p0 [sflag:s15], $0x800  }
0x39: {  	[sflag:s15] =	ssyncset.done @p0 $0x0  }
0x3a: {  	[sflag:s15] =	ssyncadd.s32 @p0 $0xFFFFF800  }
0x3b: {  	v0 =	vld @!p0 [tilespmem:$0x0]  }
0x3c: {  	v1 =	vld @!p0 [tilespmem:$0x1];
	_ =	sdelay $0x4  }
0x3d: {  	v0 =	vsub.s32 @!p0 v1, v0  }
0x3e: {  	v1 =	vimm.f32 @!p0 $0.0e+00;
	v0 =	vcvt.s32.f32 @!p0 v0  }
0x3f: {  	v2 =	vsel @!p0 vm0, $0x3F800000, v1  }
0x40: {  	v0 =	vadd.f32 @!p0 v2, v0;
	_ =	sdelay $0x1  }
0x41: {  	(erf) = vrcp.f32 @!p0 v0;
	_ =	sdelay $0x8  }
0x42: {  	v0 =	vpop @!p0 (erf)  }
0x43: {  	s15 =	simm.s32 @!p0 $0x1;
	[tilespmem:$0x8900] =	vst @!p0 v0  }
0x44: {  	_ =	swait.ge @!p0 [sflag:s15], $0x4000  }
0x45: {  	[sflag:s15] =	ssyncset.done @!p0 $0x0  }
0x46: {  	[sflag:s15] =	ssyncadd.s32 @!p0 $0xFFFFC000  }
0x47: {  	_ =	swait.ge @!p0 [sflag:s15], $0x800  }
0x48: {  	[sflag:s15] =	ssyncset.done @!p0 $0x0  }
0x49: {  	[sflag:s15] =	ssyncadd.s32 @!p0 $0xFFFFF800  }
0x4a: {  	[tilespmem:$0x100] =	vst @!p0 v1  }
0x4b: {  	[tilespmem:$0x110] =	vst @!p0 v1  }
0x4c: {  	[tilespmem:$0x120] =	vst @!p0 v1  }
0x4d: {  	s19 =	simm.s32 $0x220;
	[tilespmem:$0x130] =	vst @!p0 v1  }
0x4e: {  	v0 =	vld [tilespmem:s19+$0xFFFFFFF0]  }
0x4f: {  	v1 =	vld [tilespmem:s19+$0x70]  }
0x50: {  	v2 =	vld [tilespmem:s19+$0xFFFFFF80]  }
0x51: {  	v3 =	vld [tilespmem:s19+$0xF0]  }
0x52: {  	v4 =	vld [tilespmem:s19+$0xE0]  }
0x53: {  	s16 =	simm.s32 $0x1;
	v5 =	vld [tilespmem:s19+$0xFFFFFF90]  }
0x54: {  	v6 =	vmov s16;
	v7 =	vld [tilespmem:s19+$0x60]  }
0x55: {  	v6 =	vand.u32 $0xFFFFFFFD, v6;
	v8 =	vld [tilespmem:s19+$0xFFFFFFE0]  }
0x56: {  	v6 =	vbroadcast v6, $0x0;
	v9 =	vld [tilespmem:s19+$0x0]  }
0x57: {  	s20 =	simm.s32 $0x3;
	v10 =	vld [tilespmem:s19+$0x10]  }
0x58: {  	v11 =	vmov s20;
	v12 =	vld [tilespmem:s19+$0x110]  }
0x59: {  	s21 =	simm.s32 $0x2;
	v13 =	vld [tilespmem:s19+$0xFFFFFF70]  }
0x5a: {  	v16 =	vmov s21;
	v14 =	vld [tilespmem:s19+$0xFFFFFF60]  }
0x5b: {  	v16 =	vand.u32 $0xFFFFFFFE, v16;
	v15 =	vld [tilespmem:s19+$0x90]  }
0x5c: {  	v16 =	vbroadcast v16, $0x0;
	v6 =	vld.idx.msk [tilespmem:v6+s12+$0x0], $0xffff  }
0x5d: {  	v11 =	vld.idx.msk [tilespmem:v11+s12+$0x0], $0xffff  }
0x5e: {  	v17 =	vld [tilespmem:s19+$0x80];
	v4 =	vsub.f32 v4, v7  }
0x5f: {  	v19 =	vld [tilespmem:s19+$0x100];
	v18 =	vsub.f32 v10, v5;
	v7 =	vsub.f32 v7, v8  }
0x60: {  	v20 =	vsub.f32 v0, v13;
	v21 =	vsub.f32 v9, v2  }
0x61: {  	v8 =	vsub.f32 v8, v14;
	v3 =	vsub.f32 v3, v1  }
0x62: {  	v16 =	vld.idx.msk [tilespmem:v16+s12+$0x0], $0xffff;
	v0 =	vsub.f32 v1, v0;
	v1 =	vsub.f32 v12, v15  }
0x63: {  	v10 =	vsub.f32 v15, v10;
	v21 =	vmul.f32 v21, v6;
	v3 =	vmul.f32 v3, v11  }
0x64: {  	v12 =	vsub.f32 v19, v17;
	v4 =	vmul.f32 v4, v11;
	v15 =	vmul.f32 v18, v6  }
0x65: {  	v1 =	vmul.f32 v1, v11;
	v18 =	vmul.f32 v20, v6  }
0x66: {  	v9 =	vsub.f32 v17, v9;
	v6 =	vmul.f32 v8, v6;
	v8 =	vmul.f32 v12, v11  }
0x67: {  	s22 =	simm.s32 $0x420;
	v20 =	vmov s2;
	v10 =	vmul.f32 v10, v16;
	v0 =	vmul.f32 v0, v16  }
0x68: {  	v26 =	vld [tilespmem:s22+$0xFFFFFFE0];
	v9 =	vmul.f32 v9, v16;
	v19 =	vmax.f32 v4, v3;
	v12 =	vnsel vm1, $0xF149F2CA, v15  }
0x69: {  	s28 =	simm.s32 $0x620;
	v31 =	vld [tilespmem:s22+$0xFFFFFF60];
	v11 =	vnsel vm1, $0xF149F2CA, v1;
	v1 =	vmax.f32 v6, v18;
	v15 =	vmax.f32 v21, v12  }
0x6a: {  	v46 =	vld [tilespmem:s28+$0x110];
	v22 =	vmax.f32 v8, v11;
	v1 =	vmax.f32 v1, v15;
	v15 =	vand.u32 $0xFFFFFFFC, v20  }
0x6b: {  	v49 =	vld [tilespmem:s28+$0x90];
	v7 =	vmul.f32 v7, v16;
	v17 =	vmax.f32 v19, v22;
	(xrf0) =	vmax.scan.msk.f32 $0xffff, v1;
	v1 =	vbroadcast v15, $0x0  }
0x6c: {  	v10 =	vnsel vm1, $0xF149F2CA, v10;
	v22 =	vld [tilespmem:s19+$0xFFFFFEF0];
	(xrf0) =	vmax.scan.msk.f32 $0xffff, v17  }
0x6d: {  	v16 =	vmax.f32 v9, v10;
	v15 =	vld [tilespmem:s19+$0xFFFFFEE0];
	v17 =	vmax.f32 v7, v0  }
0x6e: {  	v16 =	vmax.f32 v17, v16;
	v17 =	vld [tilespmem:s19+$0xFFFFFF00]  }
0x6f: {  	v19 =	vld [tilespmem:s19+$0xFFFFFF10];
	(xrf0) =	vmax.scan.msk.f32 $0xffff, v16;
	_ =	sdelay $0x1  }
0x70: {  	v36 =	vsub.f32 v26, v31;
	v16, _, _ =	vpop (xrf0);
	v20 =	vld.idx.msk [tilespmem:v1+s12+$0x0], $0xffff  }
0x71: {  	v63 =	vsub.f32 v46, v49;
	v13 =	vsub.f32 v13, v22;
	v16 =	vbroadcast v16, $0xF;
	v1, _, _ =	vpop (xrf0)  }
0x72: {  	s24 =	simm.s32 $0x7;
	v14 =	vsub.f32 v14, v15;
	v2 =	vsub.f32 v2, v17;
	v15 =	vbroadcast v1, $0xF  }
0x73: {  	s30 =	simm.s32 $0xB;
	v29 =	vmov s24;
	v1 =	vsub.f32 v5, v19;
	v6 =	vsub.f32 v6, v16  }
0x74: {  	v42 =	vmov s30;
	v23, _, _ =	vpop (xrf0);
	v18 =	vsub.f32 v18, v16;
	v3 =	vsub.f32 v3, v15  }
0x75: {  	v24 =	vld [tilespmem:s22+$0xF0];
	v4 =	vsub.f32 v4, v15;
	v23 =	vbroadcast v23, $0xF;
	v17 =	vmul.f32 v1, v20  }
0x76: {  	v19 =	vld [tilespmem:s22+$0x70];
	v8 =	vsub.f32 v8, v15;
	v27 =	vmul.f32 v2, v20;
	v13 =	vmul.f32 v13, v20  }
0x77: {  	v28 =	vld [tilespmem:s22+$0x0];
	v11 =	vsub.f32 v11, v15;
	v20 =	vmul.f32 v14, v20;
	v6 =	vmul.f32 $1.442695020e+00, v6  }
0x78: {  	v30 =	vld [tilespmem:s22+$0x10];
	v18 =	vmul.f32 $1.442695020e+00, v18;
	v3 =	vmul.f32 $1.442695020e+00, v3;
	v0 =	vsub.f32 v0, v23  }
0x79: {  	v54 =	vld [tilespmem:s22+$0xFFFFFF00];
	v4 =	vmul.f32 $1.442695020e+00, v4;
	v9 =	vsub.f32 v9, v23;
	v7 =	vsub.f32 v7, v23  }
0x7a: {  	v2 =	vld [tilespmem:s22+$0xFFFFFF90];
	v10 =	vsub.f32 v10, v23;
	v15 =	vnsel vm1, $0xF149F2CA, v17;
	v14 =	vmax.f32 v20, v13  }
0x7b: {  	s23 =	simm.s32 $0x5;
	v1 =	vld [tilespmem:s22+$0xFFFFFF80];
	v24 =	vsub.f32 v24, v19;
	v17 =	vmax.f32 v27, v15;
	(erf) = vpow2.f32 v3  }
0x7c: {  	v25 =	vld [tilespmem:s22+$0xE0];
	v3 =	vmul.f32 $1.442695020e+00, v11;
	(erf) = vpow2.f32 v4;
	v4 =	vmov s23  }
0x7d: {  	v11 =	vld [tilespmem:s22+$0x60];
	v7 =	vmul.f32 $1.442695020e+00, v7;
	v0 =	vmul.f32 $1.442695020e+00, v0;
	v4 =	vand.u32 $0xFFFFFFFD, v4  }
0x7e: {  	v5 =	vld [tilespmem:s22+$0xFFFFFFF0];
	(erf) = vpow2.f32 v3;
	v3 =	vmul.f32 $1.442695020e+00, v9;
	v9 =	vmax.f32 v14, v17  }
0x7f: {  	v32 =	vsub.f32 v30, v2;
	v4 =	vbroadcast v4, $0x0;
	(erf) = vpow2.f32 v6;
	(xrf0) =	vmax.scan.msk.f32 $0xffff, v9;
	v9 =	vld [tilespmem:s22+$0xFFFFFF70]  }
0x80: {  	s25 =	simm.s32 $0x6;
	v23 =	vsub.f32 v28, v1;
	v1 =	vsub.f32 v1, v54;
	v6 =	vld [tilespmem:s22+$0x110];
	(erf) = vpow2.f32 v3  }
0x81: {  	v3 =	vmul.f32 $1.442695020e+00, v8;
	v8 =	vmov s25;
	(erf) = vpow2.f32 v7;
	v7 =	vld [tilespmem:s22+$0x90]  }
0x82: {  	v33 =	vld [tilespmem:s22+$0x100];
	v25 =	vsub.f32 v25, v11;
	(erf) = vpow2.f32 v0;
	v0 =	vsub.f32 v12, v16  }
0x83: {  	v11 =	vsub.f32 v11, v26;
	(erf) = vpow2.f32 v3;
	v3 =	vand.u32 $0xFFFFFFFE, v8;
	v8 =	vld.idx.msk [tilespmem:v29+s12+$0x0], $0xffff  }
0x84: {  	s26 =	simm.s32 $0x4;
	v10 =	vmul.f32 $1.442695020e+00, v10;
	v29 =	vld [tilespmem:s22+$0x80];
	v35 =	vsub.f32 v5, v9;
	v5 =	vsub.f32 v19, v5;
	v17 =	vpop (erf)  }
0x85: {  	v19 =	vmov s26;
	v12 =	vld.idx.msk [tilespmem:v4+s12+$0x0], $0xffff;
	v4 =	vsub.f32 v21, v16;
	v16 =	vbroadcast v3, $0x0;
	v22 =	vpop (erf)  }
0x86: {  	v3 =	vmul.f32 $1.442695020e+00, v0;
	v19 =	vand.u32 $0xFFFFFFFC, v19;
	v0, _, _ =	vpop (xrf0);
	v6 =	vsub.f32 v6, v7  }
0x87: {  	v7 =	vsub.f32 v7, v30;
	v19 =	vbroadcast v19, $0x0;
	v14 =	vpop (erf);
	v34 =	vbroadcast v0, $0xF  }
0x88: {  	v21 =	vadd.f32 v17, v22;
	v0 =	vpop (erf);
	(erf) = vpow2.f32 v10;
	v37 =	vmul.f32 v24, v8  }
0x89: {  	v38 =	vmul.f32 v25, v8;
	v33 =	vsub.f32 v33, v29;
	v6 =	vmul.f32 v6, v8  }
0x8a: {  	v20 =	vsub.f32 v20, v34;
	v10 =	vmul.f32 v23, v12;
	v23 =	vpop (erf);
	v32 =	vmul.f32 v32, v12  }
0x8b: {  	v15 =	vsub.f32 v15, v34;
	v35 =	vmul.f32 v35, v12;
	v12 =	vmul.f32 v36, v12;
	v24 =	vpop (erf)  }
0x8c: {  	v8 =	vmul.f32 v33, v8;
	v6 =	vnsel vm1, $0xF149F2CA, v6;
	v16 =	vld.idx.msk [tilespmem:v16+s12+$0x0], $0xffff;
	v25 =	vpop (erf);
	v32 =	vnsel vm1, $0xF149F2CA, v32  }
0x8d: {  	v40 =	vmax.f32 v38, v37;
	v36 =	vmax.f32 v12, v35;
	v26 =	vpop (erf);
	v39 =	vmax.f32 v10, v32  }
0x8e: {  	v41 =	vmax.f32 v8, v6;
	v50 =	vadd.f32 v14, v26;
	v36 =	vmax.f32 v36, v39  }
0x8f: {  	v4 =	vmul.f32 $1.442695020e+00, v4;
	v28 =	vsub.f32 v29, v28;
	v30 =	vmax.f32 v40, v41;
	(xrf0) =	vmax.scan.msk.f32 $0xffff, v36  }
0x90: {  	v42 =	vld.idx.msk [tilespmem:v42+s12+$0x0], $0xffff;
	v20 =	vmul.f32 $1.442695020e+00, v20;
	v15 =	vmul.f32 $1.442695020e+00, v15;
	v21 =	vadd.f32 v50, v21;
	(xrf0) =	vmax.scan.msk.f32 $0xffff, v30  }
0x91: {  	v13 =	vsub.f32 v13, v34;
	v5 =	vmul.f32 v5, v16;
	v11 =	vmul.f32 v11, v16  }
0x92: {  	v7 =	vmul.f32 v7, v16;
	(xrf2) =	vadd.scan.msk.f32 $0xffff, v21;
	v21 =	vmul.f32 v28, v16;
	v16 =	vld [tilespmem:s22+$0xFFFFFEE0];
	v28 =	vsub.f32 v27, v34  }
0x93: {  	v13 =	vmul.f32 $1.442695020e+00, v13;
	v19 =	vld.idx.msk [tilespmem:v19+s12+$0x0], $0xffff;
	(erf) = vpow2.f32 v15;
	v30 =	vmax.f32 v11, v5  }
0x94: {  	v52 =	vadd.f32 v25, v24;
	v7 =	vnsel vm1, $0xF149F2CA, v7;
	v27 =	vpop (erf);
	v28 =	vmul.f32 $1.442695020e+00, v28  }
0x95: {  	v39 =	vmul.f32 v63, v42;
	v53 =	vadd.f32 v27, v23;
	v29 =	vmax.f32 v21, v7;
	v51, _, _ =	vpop (xrf0)  }
0x96: {  	v15 =	vmax.f32 v30, v29;
	v30, _, _ =	vpop (xrf0);
	(erf) = vpow2.f32 v28;
	v28 =	vbroadcast v51, $0xF  }
0x97: {  	v29 =	vld [tilespmem:s22+$0xFFFFFF10];
	(xrf0) =	vmax.scan.msk.f32 $0xffff, v15;
	v15 =	vadd.f32 v53, v52;
	v30 =	vbroadcast v30, $0xF;
	v16 =	vsub.f32 v31, v16  }
0x98: {  	v62 =	vld [tilespmem:s28+$0x100];
	v36 =	vmul.f32 v1, v19;
	v12 =	vsub.f32 v12, v28;
	v55 =	vsub.f32 v32, v28  }
0x99: {  	v51 =	vld [tilespmem:s28+$0x80];
	(erf) = vpow2.f32 v20;
	v32 =	vsub.f32 v35, v28;
	v31 =	vsub.f32 v37, v30  }
0x9a: {  	v20 =	vld [tilespmem:s22+$0xFFFFFEF0];
	(erf) = vpow2.f32 v13;
	v13 =	vsub.f32 v38, v30;
	v8 =	vsub.f32 v8, v30  }
0x9b: {  	v6 =	vsub.f32 v6, v30;
	v16 =	vmul.f32 v16, v19;
	v12 =	vmul.f32 $1.442695020e+00, v12  }
0x9c: {  	v2 =	vsub.f32 v2, v29;
	v29 =	vmul.f32 $1.442695020e+00, v31;
	v13 =	vmul.f32 $1.442695020e+00, v13  }
0x9d: {  	v10 =	vsub.f32 v10, v28;
	v6 =	vmul.f32 $1.442695020e+00, v6;
	v8 =	vmul.f32 $1.442695020e+00, v8;
	v31, _, _ =	vpop (xrf2)  }
0x9e: {  	s31 =	simm.s32 $0x8;
	v37 =	vsub.f32 v62, v51;
	v2 =	vmul.f32 v2, v19;
	v31 =	vbroadcast v31, $0xF  }
0x9f: {  	s29 =	simm.s32 $0x9;
	v62 =	vmov s31;
	v9 =	vsub.f32 v9, v20;
	(erf) = vpow2.f32 v29  }
0xa0: {  	v56 =	vld [tilespmem:s28+$0xFFFFFFF0];
	v57 =	vnsel vm1, $0xF149F2CA, v2;
	v2 =	vmov s29;
	(erf) = vrcp.f32 v31  }
0xa1: {  	s17 =	simm.s32 $0xA;
	v58 =	vld [tilespmem:s28+$0x70];
	v20, _, _ =	vpop (xrf0);
	v37 =	vmul.f32 v37, v42;
	v60 =	vand.u32 $0xFFFFFFFD, v2;
	(erf) = vpow2.f32 v13  }
0xa2: {  	v59 =	vld [tilespmem:s28+$0xE0];
	v13 =	vbroadcast v20, $0xF;
	v20 =	vmul.f32 v9, v19;
	v9 =	vmov s17  }
0xa3: {  	v44 =	vld [tilespmem:s28+$0x60];
	v1 =	vmax.f32 v36, v57;
	v61 =	vbroadcast v60, $0x0;
	v9 =	vand.u32 $0xFFFFFFFE, v9  }
0xa4: {  	v45 =	vld [tilespmem:s28+$0x10];
	(erf) = vpow2.f32 v6;
	v5 =	vsub.f32 v5, v13;
	v31 =	vmax.f32 v16, v20  }
0xa5: {  	v34 =	vld [tilespmem:s28+$0xFFFFFF70];
	v30 =	vpop (erf);
	v43 =	vbroadcast v9, $0x0;
	(erf) = vpow2.f32 v18;
	v1 =	vmax.f32 v31, v1  }
0xa6: {  	v29 =	vpop (erf);
	v6 =	vld [tilespmem:s28+$0xFFFFFFE0];
	v21 =	vsub.f32 v21, v13;
	v7 =	vsub.f32 v7, v13;
	(erf) = vpow2.f32 v4;
	(xrf0) =	vmax.scan.msk.f32 $0xffff, v1  }
0xa7: {  	v28 =	vpop (erf);
	v9 =	vmul.f32 $1.442695020e+00, v55;
	v11 =	vsub.f32 v11, v13;
	v31 =	vld [tilespmem:s28+$0xFFFFFF90];
	(erf) = vpow2.f32 v12  }
0xa8: {  	v33 =	vld [tilespmem:s28+$0xFFFFFF80];
	v2 =	vpop (erf);
	v13 =	vadd.f32 v30, v29;
	(erf) = vpow2.f32 v3;
	v3 =	vmul.f32 $1.442695020e+00, v21  }
0xa9: {  	v18 =	vld [tilespmem:s28+$0x0];
	v12 =	vadd.f32 v2, v28;
	v11 =	vmul.f32 $1.442695020e+00, v11;
	v5 =	vmul.f32 $1.442695020e+00, v5;
	v1 =	vpop (erf)  }
0xaa: {  	v40 =	vld [tilespmem:s28+$0xFFFFFF60];
	(xrf2) =	vadd.scan.msk.f32 $0xffff, v15;
	v15 =	vsub.f32 v59, v44;
	v7 =	vmul.f32 $1.442695020e+00, v7;
	(erf) = vpow2.f32 v3;
	v35 =	vpop (erf)  }
0xab: {  	v19 =	vld [tilespmem:s28+$0xF0];
	v48 =	vadd.f32 v13, v12;
	v44 =	vsub.f32 v44, v6;
	(erf) = vpow2.f32 v11;
	v4 =	vpop (erf)  }
0xac: {  	v41 =	vld.idx.msk [tilespmem:v61+s12+$0x0], $0xffff;
	v50 =	vsub.f32 v45, v31;
	(erf) = vpow2.f32 v5;
	v5 =	vsub.f32 v56, v34;
	v21, _, _ =	vpop (xrf0)  }
0xad: {  	v22 =	vmul.f32 v35, v22;
	v47 =	vadd.f32 v1, v4;
	v3 =	vpop (erf);
	v21 =	vbroadcast v21, $0xF  }
0xae: {  	(erf) = vpow2.f32 v8;
	v8 =	vsub.f32 v18, v33;
	v18 =	vsub.f32 v51, v18;
	v12 =	vpop (erf)  }
0xaf: {  	v17 =	vmul.f32 v35, v17;
	v13 =	vpop (erf);
	v11 =	vsub.f32 v16, v21;
	v16 =	vsub.f32 v20, v21  }
0xb0: {  	v20 =	vsub.f32 v6, v40;
	v6 =	vpop (erf);
	(erf) = vpow2.f32 v7;
	v7 =	vsub.f32 v19, v58  }
0xb1: {  	v43 =	vld.idx.msk [tilespmem:v43+s12+$0x0], $0xffff;
	(xrf2) =	vadd.scan.msk.f32 $0xffff, v48;
	v50 =	vmul.f32 v50, v41;
	v51 =	vnsel vm1, $0xF149F2CA, v39;
	v46 =	vmul.f32 v5, v41  }
0xb2: {  	v48 =	vmul.f32 v8, v41;
	v8 =	vsub.f32 v49, v45;
	v49 =	vmul.f32 v15, v42  }
0xb3: {  	v39 =	vnsel vm1, $0xF149F2CA, v50;
	v19 =	vadd.f32 v12, v0;
	v38 =	vsub.f32 v57, v21  }
0xb4: {  	v15 =	vsub.f32 v36, v21;
	v52 =	vmul.f32 $1.442695020e+00, v11;
	v45 =	vmul.f32 v7, v42;
	v7, _, _ =	vpop (xrf2)  }
0xb5: {  	v11 =	vsub.f32 v58, v56;
	v41 =	vmul.f32 v20, v41;
	v58 =	vbroadcast v7, $0xF  }
0xb6: {  	v50 =	vmax.f32 v48, v39;
	v53 =	vmul.f32 $1.442695020e+00, v16;
	v20 =	vmul.f32 v18, v43;
	v16 =	vpop (erf)  }
0xb7: {  	v18 =	vmax.f32 v41, v46;
	v5 =	vpop (erf);
	v55 =	vadd.f32 v16, v13;
	(erf) = vrcp.f32 v58  }
0xb8: {  	v60 =	vmax.f32 v37, v51;
	v57 =	vmul.f32 v8, v43;
	v18 =	vmax.f32 v18, v50;
	v8 =	vpop (erf)  }
0xb9: {  	s17 =	simm.s32 $0x4A00;
	v38 =	vmul.f32 $1.442695020e+00, v38;
	v36 =	vmul.f32 $1.442695020e+00, v15;
	(xrf0) =	vmax.scan.msk.f32 $0xffff, v18;
	v7 =	vpop (erf);
	v55 =	vadd.f32 v55, v19  }
0xba: {  	[tilespmem:s17+$0x80] =	vst v22;
	v21 =	vmul.f32 v11, v43;
	v54 =	vmax.f32 v49, v45;
	v18 =	vnsel vm1, $0xF149F2CA, v57;
	v11 =	vpop (erf)  }
0xbb: {  	v22 =	vld [tilespmem:s28+$0xFFFFFEF0];
	v61, _, _ =	vpop (xrf2);
	v19 =	vmul.f32 v44, v43;
	v43 =	vmax.f32 v54, v60;
	v59 =	vadd.f32 v3, v11;
	(xrf2) =	vadd.scan.msk.f32 $0xffff, v55  }
0xbc: {  	v63 =	vld [tilespmem:s28+$0xFFFFFEE0];
	v50 =	vand.u32 $0xFFFFFFFC, v62;
	v44 =	vbroadcast v61, $0xF;
	v57 =	vmax.f32 v20, v18;
	(xrf0) =	vmax.scan.msk.f32 $0xffff, v43  }
0xbd: {  	v58 =	vmax.f32 v19, v21;
	v42 =	vadd.f32 v59, v47;
	v47 =	vbroadcast v50, $0x0  }
0xbe: {  	v56 =	vmul.f32 v35, v14;
	(erf) = vpow2.f32 v38;
	v15 =	vpop (erf);
	v38 =	vmax.f32 v58, v57  }
0xbf: {  	v54 =	vmul.f32 v35, v26;
	(erf) = vrcp.f32 v44;
	v62, _, _ =	vpop (xrf0);
	(xrf0) =	vmax.scan.msk.f32 $0xffff, v38  }
0xc0: {  	v22 =	vsub.f32 v34, v22;
	v61 =	vld [tilespmem:s28+$0xFFFFFF10];
	(erf) = vpow2.f32 v36;
	(xrf2) =	vadd.scan.msk.f32 $0xffff, v42;
	v55 =	vbroadcast v62, $0xF;
	v26 =	vpop (erf)  }
0xc1: {  	v43 =	vsub.f32 v40, v63;
	v63 =	vld [tilespmem:s28+$0xFFFFFF00];
	v59 =	vmul.f32 v26, v24;
	v25 =	vmul.f32 v26, v25  }
0xc2: {  	v60 =	vadd.f32 v15, v5;
	v23 =	vmul.f32 v26, v23;
	v27 =	vmul.f32 v26, v27;
	v26, _, _ =	vpop (xrf0)  }
0xc3: {  	[tilespmem:s17+$0x90] =	vst v17;
	(erf) = vpow2.f32 v52;
	v24 =	vadd.f32 v7, v8;
	v44 =	vld.idx.msk [tilespmem:v47+s12+$0x0], $0xffff;
	v52 =	vbroadcast v26, $0xF  }
0xc4: {  	v36 =	vsub.f32 v41, v55;
	(erf) = vpow2.f32 v53;
	v26 =	vsub.f32 v39, v55;
	[tilespmem:s17+$0x0] =	vst v59  }
0xc5: {  	v39 =	vmul.f32 $1.442695020e+00, v32;
	v24 =	vadd.f32 v60, v24;
	v14, _, _ =	vpop (xrf2);
	[tilespmem:s17+$0x10] =	vst v25;
	v58 =	vsub.f32 v45, v52  }
0xc6: {  	v17, _, _ =	vpop (xrf0);
	v25 =	vsub.f32 v31, v61;
	[tilespmem:s17+$0x30] =	vst v27;
	v27 =	vsub.f32 v33, v63;
	v59 =	vbroadcast v14, $0xF  }
0xc7: {  	v14 =	vpop (erf);
	v31 =	vsub.f32 v37, v52;
	v37 =	vbroadcast v17, $0xF;
	v60 =	vmul.f32 $1.442695020e+00, v58  }
0xc8: {  	[tilespmem:s17+$0x20] =	vst v23;
	v57 =	vsub.f32 v49, v52;
	v35 =	vpop (erf);
	(erf) = vrcp.f32 v59;
	v23 =	vmul.f32 v25, v44  }
0xc9: {  	v34 =	vsub.f32 v48, v55;
	v25 =	vmul.f32 v27, v44;
	v63 =	vmul.f32 v35, v30  }
0xca: {  	[tilespmem:s17+$0xB0] =	vst v56;
	v41 =	vsub.f32 v51, v52;
	v42 =	vmul.f32 $1.442695020e+00, v57;
	v30 =	vmul.f32 v22, v44;
	v61, _, _ =	vpop (xrf2)  }
0xcb: {  	[tilespmem:s17+$0xA0] =	vst v54;
	v17 =	vsub.f32 v46, v55;
	v32 =	vpop (erf);
	v22 =	vmul.f32 v35, v29;
	v62 =	vbroadcast v61, $0xF  }
0xcc: {  	s18 =	simm.s32 $0x820;
	v38 =	vmul.f32 v35, v28;
	v29 =	vpop (erf);
	v27 =	vnsel vm1, $0xF149F2CA, v23;
	[tilespmem:s17+$0xFFFFFF30] =	vst v63;
	(erf) = vpow2.f32 v60  }
0xcd: {  	s21 =	simm.s32 $0xC;
	s16 =	simm.s32 $0x4C00;
	s15 =	simm.s32 $0x4E00;
	v33 =	vmul.f32 v43, v44;
	[tilespmem:s17+$0xFFFFFF20] =	vst v22;
	v40 =	vmax.f32 v25, v27;
	v28 =	vpop (erf);
	(erf) = vrcp.f32 v62  }
.LBB2_2:
0xce: {  	s22 =	sadd.s32 $0x1, s21  }
0xcf: {  	v43 =	vld [tilespmem:s18+$0xFFFFFFF0];
	s23 =	sadd.s32 $0x2, s21;
	v21 =	vsub.f32 v21, v37;
	v41 =	vmul.f32 $1.442695020e+00, v41;
	(erf) = vpow2.f32 v42;
	v23 =	vmovc v32;
	v22 =	vmovc v29;
	s20 =	smov.u32 s21;
	s19 =	sadd.s32 $0x4, s21  }
0xd0: {  	p1 =	slt.u32 s21, $0x7C;
	v35 =	vmul.f32 v35, v2;
	v2 =	vmovc v28;
	v29 =	vmov s22;
	v32 =	vmov s23;
	v42 =	vld [tilespmem:s18+$0x70]  }
0xd1: {  	s21 =	sadd.s32 $0x3, s20;
	v44 =	vmax.f32 v33, v30;
	v28 =	vld [tilespmem:s18+$0xFFFFFF80];
	v29 =	vand.u32 $0xFFFFFFFD, v29;
	v32 =	vand.u32 $0xFFFFFFFE, v32;
	v45 =	vpop (erf)  }
0xd2: {  	v47 =	vmov s21;
	v46 =	vbroadcast v29, $0x0;
	v48 =	vld [tilespmem:s18+$0xF0];
	[tilespmem:s17+$0xFFFFFF10] =	vst v35;
	v16 =	vmul.f32 v45, v16  }
0xd3: {  	v49 =	vbroadcast v32, $0x0;
	v32 =	vmax.f32 v44, v40;
	v12 =	vmul.f32 v45, v12;
	v50 =	vld [tilespmem:s18+$0xE0];
	[tilespmem:s17+$0xFFFFFF00] =	vst v38  }
0xd4: {  	v20 =	vsub.f32 v20, v37;
	v13 =	vmul.f32 v45, v13;
	v29 =	vld [tilespmem:s18+$0xFFFFFF90];
	(erf) = vpow2.f32 v41;
	[tilespmem:s17+$0xFFFFFFB0] =	vst v16  }
0xd5: {  	v10 =	vmul.f32 $1.442695020e+00, v10;
	v16 =	vld [tilespmem:s18+$0x60];
	(xrf0) =	vmax.scan.msk.f32 $0xffff, v32;
	v32 =	vmul.f32 v45, v0;
	[tilespmem:s17+$0xFFFFFF90] =	vst v12;
	v0 =	vmovc v6  }
0xd6: {  	v18 =	vsub.f32 v18, v37;
	v12 =	vmul.f32 $1.442695020e+00, v36;
	v6 =	vld [tilespmem:s18+$0xFFFFFFE0];
	v35 =	vpop (erf);
	(erf) = vpow2.f32 v39;
	[tilespmem:s17+$0xFFFFFFA0] =	vst v13  }
0xd7: {  	v19 =	vsub.f32 v19, v37;
	v13 =	vmul.f32 $1.442695020e+00, v26;
	v38 =	vld [tilespmem:s18+$0x0];
	(erf) = vpow2.f32 v10;
	v26 =	vpop (erf);
	[tilespmem:s17+$0xFFFFFF80] =	vst v32;
	s17 =	smov.u32 s16;
	s16 =	smov.u32 s15  }
0xd8: {  	v18 =	vmul.f32 $1.442695020e+00, v18;
	v37 =	vld [tilespmem:s18+$0x10];
	(erf) = vpow2.f32 v12;
	v36 =	vpop (erf);
	v12 =	vadd.f32 v2, v22  }
0xd9: {  	v41 =	vadd.f32 v14, v23;
	v10 =	vmovc v34;
	v39 =	vld [tilespmem:s18+$0x110];
	v40 =	vadd.f32 v35, v36;
	(erf) = vpow2.f32 v9;
	v9 =	vmovc v13  }
0xda: {  	v13 =	vmul.f32 $1.442695020e+00, v19;
	v19 =	vmul.f32 $1.442695020e+00, v20;
	v32 =	vld [tilespmem:s18+$0xFFFFFF70];
	v44 =	vsub.f32 v50, v16;
	(xrf2) =	vadd.scan.msk.f32 $0xffff, v24  }
0xdb: {  	v20 =	vmul.f32 $1.442695020e+00, v21;
	v34 =	vadd.f32 v41, v12;
	v24 =	vld [tilespmem:s18+$0xFFFFFF60];
	v21, _, _ =	vpop (xrf0)  }
0xdc: {  	v41 =	vld [tilespmem:s18+$0x90];
	v21 =	vbroadcast v21, $0xF;
	(erf) = vpow2.f32 v19  }
0xdd: {  	v51 =	vmul.f32 $1.442695020e+00, v31;
	v19 =	vld.idx.msk [tilespmem:v46+s12+$0x0], $0xffff;
	v45 =	vsub.f32 v37, v29;
	(erf) = vpow2.f32 v13;
	v31 =	vpop (erf)  }
0xde: {  	v46 =	vsub.f32 v16, v6;
	v47 =	vld.idx.msk [tilespmem:v47+s12+$0x0], $0xffff;
	v52 =	vsub.f32 v33, v21;
	(erf) = vpow2.f32 v20  }
0xdf: {  	v54 =	vsub.f32 v30, v21;
	v20 =	vsub.f32 v43, v32;
	v50 =	vld [tilespmem:s18+$0x80];
	(erf) = vpow2.f32 v51;
	v12 =	vpop (erf)  }
0xe0: {  	v33 =	vsub.f32 v38, v28;
	v30 =	vsub.f32 v6, v24;
	v49 =	vld.idx.msk [tilespmem:v49+s12+$0x0], $0xffff;
	v51 =	vmul.f32 $1.442695020e+00, v52;
	v13 =	vpop (erf)  }
0xe1: {  	v43 =	vsub.f32 v42, v43;
	v53 =	vmul.f32 $1.442695020e+00, v54;
	v52 =	vld [tilespmem:s18+$0x100];
	v6 =	vpop (erf);
	(erf) = vpow2.f32 v18;
	(xrf2) =	vadd.scan.msk.f32 $0xffff, v34  }
0xe2: {  	v54 =	vsub.f32 v48, v42;
	v42 =	vadd.f32 v12, v0;
	v16 =	vpop (erf)  }
0xe3: {  	v37 =	vsub.f32 v41, v37;
	v39 =	vsub.f32 v39, v41;
	v34 =	vmul.f32 v33, v19  }
0xe4: {  	v27 =	vsub.f32 v27, v21;
	v41 =	vmul.f32 v54, v47;
	v38 =	vsub.f32 v50, v38;
	v18, _, _ =	vpop (xrf2)  }
0xe5: {  	v25 =	vsub.f32 v25, v21;
	v33 =	vmul.f32 v20, v19;
	v44 =	vmul.f32 v44, v47;
	v48 =	vpop (erf)  }
0xe6: {  	v20 =	vmul.f32 v37, v49;
	v37 =	vsub.f32 v52, v50;
	v50 =	vpop (erf);
	v52 =	vbroadcast v18, $0xF  }
0xe7: {  	v45 =	vmul.f32 v45, v19;
	v21 =	vmul.f32 v43, v49;
	v43 =	vmax.f32 v44, v41;
	v54 =	vpop (erf)  }
0xe8: {  	v39 =	vmul.f32 v39, v47;
	v56 =	vadd.f32 v16, v13;
	v18 =	vnsel vm1, $0xF149F2CA, v20;
	v55 =	vpop (erf)  }
0xe9: {  	v37 =	vmul.f32 v37, v47;
	v47 =	vadd.f32 v31, v55;
	(erf) = vrcp.f32 v52  }
0xea: {  	v30 =	vmul.f32 v30, v19;
	v20 =	vmul.f32 v38, v49;
	v38 =	vnsel vm1, $0xF149F2CA, v39;
	v52 =	vpop (erf)  }
0xeb: {  	v19 =	vmul.f32 v46, v49;
	v39 =	vnsel vm1, $0xF149F2CA, v45;
	v45 =	vmax.f32 v37, v38;
	v46, _, _ =	vpop (xrf2)  }
0xec: {  	v42 =	vadd.f32 v56, v42;
	v49 =	vmax.f32 v30, v33;
	v57 =	vmax.f32 v34, v39  }
0xed: {  	v49 =	vmax.f32 v49, v57;
	v43 =	vmax.f32 v43, v45;
	v45 =	vbroadcast v46, $0xF  }
0xee: {  	v25 =	vmul.f32 $1.442695020e+00, v25;
	v27 =	vmul.f32 $1.442695020e+00, v27;
	v46 =	vmov s20;
	v56 =	vld [tilespmem:s18+$0xFFFFFEE0];
	(xrf2) =	vadd.scan.msk.f32 $0xffff, v42  }
0xef: {  	v40 =	vadd.f32 v47, v40;
	v42 =	vand.u32 $0xFFFFFFFC, v46;
	v46 =	vmax.f32 v20, v18;
	(xrf0) =	vmax.scan.msk.f32 $0xffff, v49  }
0xf0: {  	v42 =	vbroadcast v42, $0x0;
	v49 =	vmax.f32 v19, v21;
	(xrf0) =	vmax.scan.msk.f32 $0xffff, v43;
	(erf) = vpow2.f32 v27  }
0xf1: {  	v4 =	vmul.f32 v26, v4;
	v27 =	vmax.f32 v49, v46;
	v43 =	vadd.f32 v54, v50;
	(xrf2) =	vadd.scan.msk.f32 $0xffff, v40  }
0xf2: {  	v11 =	vmul.f32 v26, v11;
	v46 =	vmul.f32 v26, v1;
	v40 =	vadd.f32 v52, v48;
	v47 =	vpop (erf)  }
0xf3: {  	v1 =	vmovc v35;
	v49 =	vsub.f32 v24, v56;
	v8 =	vmul.f32 v47, v8;
	[tilespmem:s17+$0x80] =	vst v4;
	(erf) = vrcp.f32 v45  }
0xf4: {  	v24 =	vadd.f32 v40, v43;
	v56 =	vmul.f32 v47, v7;
	v35 =	vld [tilespmem:s18+$0xFFFFFF00];
	(xrf0) =	vmax.scan.msk.f32 $0xffff, v27;
	v27 =	vmul.f32 v47, v5  }
0xf5: {  	v4 =	vmov v36;
	v47 =	vmul.f32 v47, v15;
	v40 =	vld [tilespmem:s18+$0xFFFFFF10];
	v5, _, _ =	vpop (xrf0);
	(erf) = vpow2.f32 v25;
	[tilespmem:s17+$0x0] =	vst v8  }
0xf6: {  	v43 =	vld.idx.msk [tilespmem:v42+s12+$0x0], $0xffff;
	v45 =	vbroadcast v5, $0xF;
	v15, _, _ =	vpop (xrf0);
	(erf) = vpow2.f32 v51;
	[tilespmem:s17+$0x10] =	vst v56;
	v5 =	vmov v48  }
0xf7: {  	v7 =	vmovc v54;
	v25 =	vmul.f32 v26, v3;
	v3 =	vmovc v31;
	v15 =	vbroadcast v15, $0xF;
	[tilespmem:s17+$0x30] =	vst v47;
	v8 =	vmov v50  }
0xf8: {  	v42 =	vld [tilespmem:s18+$0xFFFFFEF0];
	v36 =	vsub.f32 v30, v45;
	v26 =	vsub.f32 v39, v45;
	(erf) = vpow2.f32 v53;
	[tilespmem:s17+$0x20] =	vst v27;
	v27, _, _ =	vpop (xrf2)  }
0xf9: {  	v30 =	vsub.f32 v44, v15;
	v41 =	vsub.f32 v41, v15;
	v44 =	vpop (erf);
	v27 =	vbroadcast v27, $0xF;
	[tilespmem:s17+$0x90] =	vst v46  }
0xfa: {  	v39 =	vmul.f32 $1.442695020e+00, v17;
	v31 =	vsub.f32 v37, v15;
	v29 =	vsub.f32 v29, v40;
	v37, _, _ =	vpop (xrf0);
	[tilespmem:s17+$0xB0] =	vst v25  }
0xfb: {  	v17 =	vsub.f32 v28, v35;
	v28 =	vmul.f32 $1.442695020e+00, v41;
	v25, _, _ =	vpop (xrf2);
	[tilespmem:s17+$0xA0] =	vst v11;
	(erf) = vrcp.f32 v27  }
0xfc: {  	v41 =	vsub.f32 v38, v15;
	v27 =	vmul.f32 v29, v43;
	v46 =	vbroadcast v25, $0xF;
	v35 =	vpop (erf)  }
.Ltmp0:
0xfd: {  	v11 =	vmovc v55;
	v25 =	vmul.f32 v17, v43;
	v47 =	vsub.f32 v32, v42;
	v48 =	vmul.f32 v35, v14;
	(pc) =	sbr.rel @p1 .LBB2_2-.Ltmp0, $4  }
0xfe: {  	v37 =	vbroadcast v37, $0xF;
	v42 =	vmul.f32 $1.442695020e+00, v30;
	v27 =	vnsel vm1, $0xF149F2CA, v27;
	v32 =	vpop (erf)  }
0xff: {  	v23 =	vmul.f32 v35, v23;
	v30 =	vmul.f32 v47, v43;
	v40 =	vmax.f32 v25, v27;
	v29 =	vpop (erf);
	[tilespmem:s17+$0xFFFFFF30] =	vst v48  }
0x100: {  	v15 =	vmovc v52;
	v17 =	vsub.f32 v33, v45;
	v38 =	vmul.f32 v35, v22;
	v14 =	vmovc v44;
	(erf) = vpow2.f32 v28  }
0x101: {  	s21 =	smov.u32 s19;
	s15 =	sadd.s32 $0x200, s15;
	v34 =	vsub.f32 v34, v45;
	s18 =	sadd.s32 $0x200, s18;
	v33 =	vmul.f32 v49, v43;
	v28 =	vpop (erf);
	(erf) = vrcp.f32 v46;
	[tilespmem:s17+$0xFFFFFF20] =	vst v23  }
0x102: {  	v22 =	vmul.f32 $1.442695020e+00, v41  }
0x103: {  	(erf) = vpow2.f32 v42  }
0x104: {  	v10 =	vmul.f32 $1.442695020e+00, v10;
	(erf) = vpow2.f32 v22  }
0x105: {  	v20 =	vsub.f32 v20, v37;
	v46 =	vmul.f32 $1.442695020e+00, v36;
	(erf) = vpow2.f32 v39  }
0x106: {  	v19 =	vsub.f32 v19, v37;
	(erf) = vpow2.f32 v10  }
0x107: {  	v47 =	vsub.f32 v21, v37;
	v20 =	vmul.f32 $1.442695020e+00, v20;
	(erf) = vpow2.f32 v46  }
0x108: {  	v48 =	vmul.f32 $1.442695020e+00, v19;
	(erf) = vpow2.f32 v9  }
0x109: {  	v23 =	vpop (erf);
	v49 =	vmul.f32 $1.442695020e+00, v47;
	(erf) = vpow2.f32 v20  }
0x10a: {  	v50 =	vmul.f32 $1.442695020e+00, v31;
	v10 =	vpop (erf);
	(erf) = vpow2.f32 v48  }
0x10b: {  	v31 =	vpop (erf);
	(erf) = vpow2.f32 v49  }
0x10c: {  	v20 =	vpop (erf);
	(erf) = vpow2.f32 v50  }
0x10d: {  	v19 =	vpop (erf)  }
0x10e: {  	v36 =	vpop (erf)  }
0x10f: {  	v51 =	vadd.f32 v28, v29;
	v52 =	vadd.f32 v14, v32;
	v39 =	vpop (erf)  }
0x110: {  	v43 =	vmax.f32 v33, v30;
	v9 =	vpop (erf)  }
0x111: {  	v40 =	vmax.f32 v43, v40;
	v22 =	vadd.f32 v52, v51;
	v42 =	vpop (erf)  }
0x112: {  	v21 =	vpop (erf)  }
0x113: {  	(xrf2) =	vadd.scan.msk.f32 $0xffff, v24;
	v24 =	vpop (erf)  }
0x114: {  	(xrf0) =	vmax.scan.msk.f32 $0xffff, v40;
	v40 =	vpop (erf)  }
0x115: {  	(xrf2) =	vadd.scan.msk.f32 $0xffff, v22;
	v53 =	vadd.f32 v36, v6;
	v54 =	vadd.f32 v42, v39;
	v22 =	vpop (erf)  }
0x116: {  	v44 =	vadd.f32 v10, v20;
	v45 =	vadd.f32 v19, v22  }
0x117: {  	v41 =	vadd.f32 v54, v53  }
0x118: {  	v55 =	vadd.f32 v45, v44  }
0x119: {  	(xrf2) =	vadd.scan.msk.f32 $0xffff, v41  }
0x11a: {  	v56, _, _ =	vpop (xrf0);
	(xrf2) =	vadd.scan.msk.f32 $0xffff, v55  }
0x11b: {  	v18 =	vsub.f32 v18, v37;
	v57 =	vbroadcast v56, $0xF;
	_ =	sdelay $0x1  }
0x11c: {  	v18 =	vmul.f32 $1.442695020e+00, v18;
	v58, _, _ =	vpop (xrf2);
	v27 =	vsub.f32 v27, v57  }
0x11d: {  	v41 =	vbroadcast v58, $0xF  }
0x11e: {  	v60 =	vsub.f32 v25, v57;
	v59, _, _ =	vpop (xrf2);
	v61 =	vmul.f32 $1.442695020e+00, v27;
	(erf) = vpow2.f32 v18  }
0x11f: {  	v62 =	vsub.f32 v33, v57;
	v63 =	vbroadcast v59, $0xF;
	(erf) = vrcp.f32 v41  }
0x120: {  	v18 =	vmul.f32 $1.442695020e+00, v60;
	v41 =	vsub.f32 v30, v57;
	(erf) = vpow2.f32 v61  }
0x121: {  	v43 =	vmul.f32 $1.442695020e+00, v62;
	(erf) = vrcp.f32 v63  }
0x122: {  	v44 =	vmul.f32 $1.442695020e+00, v41;
	(erf) = vpow2.f32 v18;
	v45, _, _ =	vpop (xrf2)  }
0x123: {  	(erf) = vpow2.f32 v43;
	v18 =	vbroadcast v45, $0xF;
	v46, _, _ =	vpop (xrf2)  }
0x124: {  	(erf) = vpow2.f32 v44;
	v25 =	vbroadcast v46, $0xF  }
0x125: {  	v17 =	vmul.f32 $1.442695020e+00, v17;
	(erf) = vrcp.f32 v18  }
0x126: {  	v47 =	vmul.f32 $1.442695020e+00, v34;
	(erf) = vrcp.f32 v25  }
0x127: {  	v48 =	vmul.f32 $1.442695020e+00, v26;
	v26 =	vpop (erf);
	(erf) = vpow2.f32 v17  }
0x128: {  	v51 =	vpop (erf);
	(erf) = vpow2.f32 v47  }
0x129: {  	v49 =	vadd.f32 v40, v24;
	v50 =	vadd.f32 v26, v21;
	v18 =	vpop (erf);
	(erf) = vpow2.f32 v48  }
0x12a: {  	v52 =	vpop (erf)  }
0x12b: {  	v27 =	vpop (erf);
	v17 =	vadd.f32 v50, v49  }
0x12c: {  	v12 =	vmul.f32 v23, v12;
	v33 =	vpop (erf)  }
0x12d: {  	v2 =	vmul.f32 v35, v2;
	v53 =	vmul.f32 v23, v16;
	v16 =	vpop (erf);
	(xrf2) =	vadd.scan.msk.f32 $0xffff, v17  }
0x12e: {  	[tilespmem:s17+$0xFFFFFF00] =	vst v38;
	v54 =	vpop (erf)  }
0x12f: {  	[tilespmem:s17+$0xFFFFFF10] =	vst v2;
	v13 =	vmul.f32 v23, v13;
	v57 =	vadd.f32 v18, v27;
	v56 =	vadd.f32 v16, v33;
	v55 =	vpop (erf)  }
0x130: {  	v0 =	vmul.f32 v23, v0;
	[tilespmem:s17+$0xFFFFFF90] =	vst v12;
	v12 =	vpop (erf)  }
0x131: {  	[tilespmem:s17+$0xFFFFFFA0] =	vst v13;
	v1 =	vmul.f32 v31, v1;
	v58 =	vadd.f32 v57, v56;
	v23 =	vpop (erf)  }
0x132: {  	[tilespmem:s17+$0xFFFFFF80] =	vst v0;
	v3 =	vmul.f32 v31, v3;
	v59 =	vmul.f32 v31, v4;
	v4 =	vpop (erf)  }
0x133: {  	[tilespmem:s16+$0x90] =	vst v1;
	(xrf2) =	vadd.scan.msk.f32 $0xffff, v58;
	v60 =	vadd.f32 v12, v9;
	v61 =	vadd.f32 v4, v23  }
0x134: {  	[tilespmem:s16+$0xB0] =	vst v3  }
0x135: {  	[tilespmem:s16+$0x80] =	vst v59;
	v30 =	vmul.f32 v31, v11;
	v13 =	vadd.f32 v61, v60  }
0x136: {  	[tilespmem:s17+$0xFFFFFFB0] =	vst v53;
	v8 =	vmul.f32 v51, v8  }
0x137: {  	[tilespmem:s16+$0xA0] =	vst v30;
	v62 =	vmul.f32 v51, v7;
	v63 =	vmul.f32 v51, v15;
	v15, _, _ =	vpop (xrf2);
	(xrf2) =	vadd.scan.msk.f32 $0xffff, v13  }
0x138: {  	[tilespmem:s16+$0x0] =	vst v8  }
0x139: {  	v5 =	vmul.f32 v51, v5;
	[tilespmem:s16+$0x10] =	vst v62;
	v0 =	vbroadcast v15, $0xF  }
0x13a: {  	[tilespmem:s16+$0x30] =	vst v63;
	v31 =	vmul.f32 v52, v14  }
0x13b: {  	[tilespmem:s16+$0x20] =	vst v5;
	v34 =	vmul.f32 v52, v32;
	(erf) = vrcp.f32 v0  }
0x13c: {  	v35 =	vmul.f32 v52, v28;
	[tilespmem:s16+$0xFFFFFF30] =	vst v31  }
0x13d: {  	v37 =	vmul.f32 v52, v29;
	[tilespmem:s16+$0xFFFFFF20] =	vst v34;
	v38, _, _ =	vpop (xrf2)  }
0x13e: {  	[tilespmem:s16+$0xFFFFFF10] =	vst v35;
	v41 =	vmul.f32 v54, v42;
	v1 =	vbroadcast v38, $0xF  }
0x13f: {  	[tilespmem:s16+$0xFFFFFF00] =	vst v37;
	v42 =	vmul.f32 v54, v36  }
0x140: {  	v43 =	vmul.f32 v54, v39;
	[tilespmem:s16+$0xFFFFFFB0] =	vst v41;
	(erf) = vrcp.f32 v1  }
0x141: {  	v44 =	vmul.f32 v54, v6;
	[tilespmem:s16+$0xFFFFFF90] =	vst v42;
	v45, _, _ =	vpop (xrf2)  }
0x142: {  	[tilespmem:s16+$0xFFFFFFA0] =	vst v43;
	v46 =	vmul.f32 v55, v20;
	v1 =	vbroadcast v45, $0xF  }
0x143: {  	[tilespmem:s16+$0xFFFFFF80] =	vst v44;
	v52 =	vmul.f32 v55, v10  }
0x144: {  	v53 =	vmul.f32 v55, v19;
	[tilespmem:s15+$0x80] =	vst v46;
	v47 =	vpop (erf);
	(erf) = vrcp.f32 v1  }
0x145: {  	v54 =	vmul.f32 v55, v22;
	[tilespmem:s15+$0x90] =	vst v52  }
0x146: {  	[tilespmem:s15+$0xB0] =	vst v53;
	v48 =	vmul.f32 v47, v24  }
0x147: {  	[tilespmem:s15+$0xA0] =	vst v54;
	v49 =	vmul.f32 v47, v40  }
0x148: {  	v50 =	vmul.f32 v47, v26;
	[tilespmem:s15+$0x0] =	vst v48  }
0x149: {  	v51 =	vmul.f32 v47, v21;
	[tilespmem:s15+$0x10] =	vst v49;
	v55 =	vpop (erf)  }
0x14a: {  	[tilespmem:s15+$0x30] =	vst v50;
	v56 =	vmul.f32 v55, v18  }
0x14b: {  	[tilespmem:s15+$0x20] =	vst v51;
	v57 =	vmul.f32 v55, v27  }
0x14c: {  	v58 =	vmul.f32 v55, v16;
	[tilespmem:s15+$0xFFFFFF30] =	vst v56  }
0x14d: {  	v2 =	vmul.f32 v55, v33;
	[tilespmem:s15+$0xFFFFFF20] =	vst v57;
	v59 =	vpop (erf)  }
0x14e: {  	[tilespmem:s15+$0xFFFFFF10] =	vst v58;
	v60 =	vmul.f32 v59, v4  }
0x14f: {  	[tilespmem:s15+$0xFFFFFF00] =	vst v2;
	v61 =	vmul.f32 v59, v12  }
0x150: {  	v62 =	vmul.f32 v59, v23;
	[tilespmem:s15+$0xFFFFFFB0] =	vst v60  }
0x151: {  	s14 =	sadd.s32 $0x1, s14;
	v63 =	vmul.f32 v59, v9;
	[tilespmem:s15+$0xFFFFFF90] =	vst v61  }
0x152: {  	p1 =	sne.s32 s14, s6;
	[tilespmem:s15+$0xFFFFFFA0] =	vst v62  }
.Ltmp1:
0x153: {  	[tilespmem:s15+$0xFFFFFF80] =	vst v63;
	(pc) =	sbr.rel @p1 .LBB2_1-.Ltmp1, $4  }
0x154: {  	[hbm4b:s5+s2] =	stream.linear.scatter [tilespmem:s13], [sflag:$0x2], $0x4000, $0x38;
	[tilespmem:$0x8980] =	vst v63  }
0x155: {  	_ =	swait.ge [sflag:s7], $0x4000  }
0x156: {  	[sflag:s7] =	ssyncset.done $0x0  }
0x157: {  	[sflag:s7] =	ssyncadd.s32 $0xFFFFC000  }
0x158: {  	_ =	sfence.sel $0x180000  }
0x159: {  	[bflag:$0x0] =	sbarrier.arrive $0xFFFF  }
0x15a: {  	p0 =	sne.s32 s1, $0x0;
	_ =	strace $0x90000047  }
0x15b: {  	s0 =	sadd.s32 @!p0 $0x100000, s0;
	[bflag:$0x2] =	sbarrier.arrive $0xFFFF  }
0x15c: {  	[sflag:s0] =	ssyncadd.tile.s32 @!p0 $0x1;
	_ =	shalt  }
.Lfunc_end2:
_tile_overlayer_lowered:
.L_overlay_start_2:
0x15d: {  	(tag) =	ssettag $0x2  }
0x15e: {  	s0 =	rddreg [dreg:$0x0];
	s2 =	stileid.u32  }
0x15f: {  	s1 =	rddreg [dreg:$0x1];
	p0 =	sne.s32 s2, $0x0  }
0x160: {  	s3 =	rddreg [dreg:$0x2];
	[bflag:$0x3] =	sbarrier.arrive $0xFFFF;
	s2 =	simm.s32 @!p0 $0x1C02  }
0x161: {  	[timem:s3], [sflag:s2] =	dma.local @!p0 [hbm:s0], s1  }
0x162: {  	s0 =	simm.s32 @!p0 $0x2  }
0x163: {  	_ =	swait.ge @!p0 [sflag:s0], s1  }
0x164: {  	s1 =	ssub.s32 @!p0 $0x0, s1;
	[sflag:s0] =	ssyncset.done @!p0 $0x0  }
0x165: {  	[sflag:s0] =	ssyncadd.s32 @!p0 s1  }
0x166: {  	[bflag:$0x3] =	sbarrier.arrive $0xFFFF  }
0x167: {  	_ =	shalt  }

</sc_bundles>
